<compile_context>
chip_gen: v7x
topology: tpu7x:2x2x1
jax: 0.10.2.dev20260603
libtpu: 0.0.44.dev20260713+nightly
codegen_flags: <defaults>
</compile_context>

<pallas_src>
import jax
import jax.numpy as jnp
from jax import lax
from jax.experimental import pallas as pl
from jax.experimental.pallas import tpu as pltpu
from jax.experimental.pallas import tpu_sc as plsc

_NC = 2
_NS = 16
_NW = _NC * _NS
_L = 16
_TILE = 128


def _matvec_body(z_ref, w_ref, b_ref, y_ref):
    prod = jax.lax.dot_general(
        w_ref[...],
        z_ref[...],
        dimension_numbers=(((1,), (1,)), ((), ())),
        preferred_element_type=jnp.float32,
    )
    y_ref[...] = jnp.exp(prod + b_ref[0, 0] * 0.5)


def _edge_body(y_hbm, ei_hbm, out_hbm, y_v, idx_v, out_v, sem_y, si0, si1,
               sem_o):
    cw = idx_v.shape[1]
    e = ei_hbm.shape[1]
    ntiles = e // _TILE
    wid = lax.axis_index("s") * _NC + lax.axis_index("c")
    base = (wid * ntiles) // _NW * _TILE

    c0 = (cw // (2 * _TILE) + 1) * _TILE
    sizes = (c0, cw - c0)
    offs = (0, c0)
    isems = (si0, si1)

    cp_y = pltpu.make_async_copy(y_hbm.at[0], y_v, sem_y)
    cp_y.start()
    cps = []
    for i in range(2):
        cp = pltpu.make_async_copy(
            ei_hbm.at[:, pl.ds(base + offs[i], sizes[i])],
            idx_v.at[:, pl.ds(offs[i], sizes[i])],
            isems[i],
        )
        cp.start()
        cps.append(cp)
    cp_y.wait()
    outs = []
    for i in range(2):
        cps[i].wait()
        lo = offs[i]

        @plsc.parallel_loop(lo, lo + sizes[i], _L, unroll=16)
        def step(off):
            sv = plsc.load_gather(y_v, [idx_v[0, pl.ds(off, _L)]])
            dv = plsc.load_gather(y_v, [idx_v[1, pl.ds(off, _L)]])
            p = sv * dv
            out_v[pl.ds(off, _L)] = 1.0 - 1.0 / (1.0 + p)

        cpo = pltpu.make_async_copy(
            out_v.at[pl.ds(lo, sizes[i])],
            out_hbm.at[0, pl.ds(base + lo, sizes[i])],
            sem_o,
        )
        cpo.start()
        outs.append(cpo)
    for cpo in outs:
        cpo.wait()


def kernel(z, edge_index, W, b):
    n, d = z.shape
    e = edge_index.shape[1]
    ntiles = e // _TILE
    cw = (ntiles + _NW - 1) // _NW * _TILE

    y = pl.pallas_call(
        _matvec_body,
        out_shape=jax.ShapeDtypeStruct((1, n), jnp.float32),
    )(z, W, b.reshape(1, 1))

    ei = edge_index.astype(jnp.int32)

    edge_kernel = pl.kernel(
        _edge_body,
        out_type=jax.ShapeDtypeStruct((1, e), jnp.float32),
        mesh=plsc.VectorSubcoreMesh(
            core_axis_name="c", subcore_axis_name="s"
        ),
        compiler_params=pltpu.CompilerParams(needs_layout_passes=False),
        scratch_types=[
            pltpu.VMEM((n,), jnp.float32),
            pltpu.VMEM((2, cw), jnp.int32),
            pltpu.VMEM((cw,), jnp.float32),
            pltpu.SemaphoreType.DMA,
            pltpu.SemaphoreType.DMA,
            pltpu.SemaphoreType.DMA,
            pltpu.SemaphoreType.DMA,
        ],
    )
    out = edge_kernel(y, ei)
    return out.reshape(e, 1)

# --- scband reference (transcript-rebuilt; emitter-appended) ---
"""Pipeline reference for scband-logistic-decoder-89472758710371 (READ-ONLY COPY).

The authoritative reference and input builder live on the scoring server;
editing this copy changes nothing except your own understanding.
"""

import jax, jax.numpy as jnp
import numpy as np


def setup_inputs(seed: int = 0) -> dict:
    key = jax.random.key(seed)
    k1, k2, k3, k4 = jax.random.split(key, 4)
    N, E, d = 10000, 320000, 128
    z = jax.random.normal(k1, (N, d), dtype=jnp.float32)
    edge_index = jax.random.randint(k2, (2, E), 0, N, dtype=jnp.int64)
    # Linear(out_channels=128, 1): PyTorch default init U(-1/sqrt(d), 1/sqrt(d))
    bound = 1.0 / np.sqrt(d)
    W = jax.random.uniform(k3, (1, d), dtype=jnp.float32, minval=-bound, maxval=bound)
    b = jax.random.uniform(k4, (1,), dtype=jnp.float32, minval=-bound, maxval=bound)
    return {"z": z, "edge_index": edge_index, "W": W, "b": b}


def reference(z, edge_index, W, b):
    # z = z[edge_index[0]] + z[edge_index[1]]
    src = jnp.take(z, edge_index[0], axis=0)
    dst = jnp.take(z, edge_index[1], axis=0)
    h = src + dst
    # self.lin(z)
    out = h @ W.T + b
    # torch.sigmoid
    return jax.nn.sigmoid(out)

if __name__ == "__main__":
    import jax
    _d = setup_inputs()
    print(jax.jit(kernel)(*tuple(_d.values())))

</pallas_src>

<mosaic_0001>
#map = affine_map<(d0, d1) -> (0, 0)>
module attributes {stable_mosaic.version = 14 : i64} {
  func.func @_edge_body(%arg0: i32, %arg1: i32, %arg2: memref<1x10000xf32, #tpu.memory_space<hbm>>, %arg3: memref<2x320000xi32, #tpu.memory_space<hbm>>, %arg4: memref<1x320000xf32, #tpu.memory_space<hbm>>, %arg5: memref<10000xf32, #tpu.memory_space<vmem>>, %arg6: memref<2x10112xi32, #tpu.memory_space<vmem>>, %arg7: memref<10112xf32, #tpu.memory_space<vmem>>, %arg8: memref<!tpu.dma_semaphore, #tpu.memory_space<semaphore_mem>>, %arg9: memref<!tpu.dma_semaphore, #tpu.memory_space<semaphore_mem>>, %arg10: memref<!tpu.dma_semaphore, #tpu.memory_space<semaphore_mem>>, %arg11: memref<!tpu.dma_semaphore, #tpu.memory_space<semaphore_mem>>) attributes {dimension_semantics = [#tpu.dimension_semantics<core_parallel>, #tpu.dimension_semantics<subcore_parallel>], iteration_bounds = array<i64: 2, 16>, scalar_prefetch = 0 : i64, scratch_operands = 7 : i64, tpu.core_type = #tpu.core_type<sc_vector_subcore>, window_params = [{transform_indices = #map}, {transform_indices = #map}, {transform_indices = #map}]} {
    %mul3A = arith.constant 2 : i32
    %mul3A_0 = arith.muli %arg1, %mul3A : i32
    %add3A = arith.addi %mul3A_0, %arg0 : i32
    %mul3A_1 = arith.constant 2500 : i32
    %mul3A_2 = arith.muli %add3A, %mul3A_1 : i32
    %jit3A = arith.constant 32 : i32
    %div3A = arith.divsi %mul3A_2, %jit3A : i32
    %sign3A = arith.constant 0 : i32
    %sign3A_3 = arith.cmpi sgt, %mul3A_2, %sign3A : i32
    %sign3A_4 = arith.extui %sign3A_3 : i1 to i32
    %sign3A_5 = arith.constant 0 : i32
    %sign3A_6 = arith.cmpi slt, %mul3A_2, %sign3A_5 : i32
    %sign3A_7 = arith.extui %sign3A_6 : i1 to i32
    %sign3A_8 = arith.subi %sign3A_4, %sign3A_7 : i32
    %sign3A_9 = arith.constant 0 : i32
    %sign3A_10 = arith.cmpi sgt, %jit3A, %sign3A_9 : i32
    %sign3A_11 = arith.extui %sign3A_10 : i1 to i32
    %sign3A_12 = arith.constant 0 : i32
    %sign3A_13 = arith.cmpi slt, %jit3A, %sign3A_12 : i32
    %sign3A_14 = arith.extui %sign3A_13 : i1 to i32
    %sign3A_15 = arith.subi %sign3A_11, %sign3A_14 : i32
    %ne3A = arith.cmpi ne, %sign3A_8, %sign3A_15 : i32
    %rem3A = arith.remsi %mul3A_2, %jit3A : i32
    %ne3A_16 = arith.constant 0 : i32
    %ne3A_17 = arith.cmpi ne, %rem3A, %ne3A_16 : i32
    %and3A = arith.andi %ne3A, %ne3A_17 : i1
    %sub3A = arith.constant 1 : i32
    %sub3A_18 = arith.subi %div3A, %sub3A : i32
    %select_n3A = arith.select %and3A, %sub3A_18, %div3A : i32
    %mul3A_19 = arith.constant 128 : i32
    %mul3A_20 = arith.muli %select_n3A, %mul3A_19 : i32
    %dma_start3A = arith.constant 0 : i32
    %dma_start3A_21 = arith.constant 0 : i32
    %dma_start3A_22 = tpu.memref_slice %arg2[%dma_start3A, %dma_start3A_21] : memref<1x10000xf32, #tpu.memory_space<hbm>> -> memref<1x10000xf32, #tpu.memory_space<hbm>>
    %dma_start3A_23 = tpu.memref_squeeze %dma_start3A_22 : memref<1x10000xf32, #tpu.memory_space<hbm>> -> memref<10000xf32, #tpu.memory_space<hbm>>
    %dma_start3A_24 = arith.constant 0 : i32
    %dma_start3A_25 = tpu.memref_slice %arg2[%dma_start3A, %dma_start3A_24] : memref<1x10000xf32, #tpu.memory_space<hbm>> -> memref<1x10000xf32, #tpu.memory_space<hbm>>
    %dma_start3A_26 = tpu.memref_squeeze %dma_start3A_25 : memref<1x10000xf32, #tpu.memory_space<hbm>> -> memref<10000xf32, #tpu.memory_space<hbm>>
    tpu.enqueue_dma source(%dma_start3A_26 : memref<10000xf32, #tpu.memory_space<hbm>>) target(%arg5 : memref<10000xf32, #tpu.memory_space<vmem>>) target_semaphore(%arg8 : memref<!tpu.dma_semaphore, #tpu.memory_space<semaphore_mem>>)
    %add3A_27 = arith.constant 0 : i32
    %add3A_28 = arith.addi %mul3A_20, %add3A_27 : i32
    %dma_start3A_29 = arith.constant 0 : i32
    %dma_start3A_30 = arith.constant 0 : i32
    %dma_start3A_31 = tpu.memref_slice %arg6[%dma_start3A_29, %dma_start3A_30] : memref<2x10112xi32, #tpu.memory_space<vmem>> -> memref<2x5120xi32, #tpu.memory_space<vmem>>
    %dma_start3A_32 = arith.constant 0 : i32
    %dma_start3A_33 = tpu.memref_slice %arg3[%dma_start3A_32, %add3A_28] : memref<2x320000xi32, #tpu.memory_space<hbm>> -> memref<2x5120xi32, #tpu.memory_space<hbm>>
    %dma_start3A_34 = arith.constant 0 : i32
    %dma_start3A_35 = arith.constant 0 : i32
    %dma_start3A_36 = tpu.memref_slice %arg6[%dma_start3A_34, %dma_start3A_35] : memref<2x10112xi32, #tpu.memory_space<vmem>> -> memref<2x5120xi32, #tpu.memory_space<vmem>>
    %dma_start3A_37 = arith.constant 0 : i32
    %dma_start3A_38 = tpu.memref_slice %arg3[%dma_start3A_37, %add3A_28] : memref<2x320000xi32, #tpu.memory_space<hbm>> -> memref<2x5120xi32, #tpu.memory_space<hbm>>
    tpu.enqueue_dma source(%dma_start3A_38 : memref<2x5120xi32, #tpu.memory_space<hbm>>) target(%dma_start3A_36 : memref<2x5120xi32, #tpu.memory_space<vmem>>) target_semaphore(%arg9 : memref<!tpu.dma_semaphore, #tpu.memory_space<semaphore_mem>>)
    %add3A_39 = arith.constant 5120 : i32
    %add3A_40 = arith.addi %mul3A_20, %add3A_39 : i32
    %dma_start3A_41 = arith.constant 0 : i32
    %dma_start3A_42 = arith.constant 5120 : i32
    %dma_start3A_43 = tpu.memref_slice %arg6[%dma_start3A_41, %dma_start3A_42] : memref<2x10112xi32, #tpu.memory_space<vmem>> -> memref<2x4992xi32, #tpu.memory_space<vmem>>
    %dma_start3A_44 = arith.constant 0 : i32
    %dma_start3A_45 = tpu.memref_slice %arg3[%dma_start3A_44, %add3A_40] : memref<2x320000xi32, #tpu.memory_space<hbm>> -> memref<2x4992xi32, #tpu.memory_space<hbm>>
    %dma_start3A_46 = arith.constant 0 : i32
    %dma_start3A_47 = arith.constant 5120 : i32
    %dma_start3A_48 = tpu.memref_slice %arg6[%dma_start3A_46, %dma_start3A_47] : memref<2x10112xi32, #tpu.memory_space<vmem>> -> memref<2x4992xi32, #tpu.memory_space<vmem>>
    %dma_start3A_49 = arith.constant 0 : i32
    %dma_start3A_50 = tpu.memref_slice %arg3[%dma_start3A_49, %add3A_40] : memref<2x320000xi32, #tpu.memory_space<hbm>> -> memref<2x4992xi32, #tpu.memory_space<hbm>>
    tpu.enqueue_dma source(%dma_start3A_50 : memref<2x4992xi32, #tpu.memory_space<hbm>>) target(%dma_start3A_48 : memref<2x4992xi32, #tpu.memory_space<vmem>>) target_semaphore(%arg10 : memref<!tpu.dma_semaphore, #tpu.memory_space<semaphore_mem>>)
    %dma_wait3A = arith.constant 0 : i32
    %dma_wait3A_51 = arith.constant 0 : i32
    %dma_wait3A_52 = tpu.memref_slice %arg2[%dma_wait3A, %dma_wait3A_51] : memref<1x10000xf32, #tpu.memory_space<hbm>> -> memref<1x10000xf32, #tpu.memory_space<hbm>>
    %dma_wait3A_53 = tpu.memref_squeeze %dma_wait3A_52 : memref<1x10000xf32, #tpu.memory_space<hbm>> -> memref<10000xf32, #tpu.memory_space<hbm>>
    %dma_wait3A_54 = arith.constant 0 : i32
    %dma_wait3A_55 = tpu.memref_slice %arg2[%dma_wait3A, %dma_wait3A_54] : memref<1x10000xf32, #tpu.memory_space<hbm>> -> memref<1x10000xf32, #tpu.memory_space<hbm>>
    %dma_wait3A_56 = tpu.memref_squeeze %dma_wait3A_55 : memref<1x10000xf32, #tpu.memory_space<hbm>> -> memref<10000xf32, #tpu.memory_space<hbm>>
    tpu.wait_dma2 semaphore(%arg8 : memref<!tpu.dma_semaphore, #tpu.memory_space<semaphore_mem>>) src(%dma_wait3A_56 : memref<10000xf32, #tpu.memory_space<hbm>>) dst(%arg5 : memref<10000xf32, #tpu.memory_space<vmem>>)
    %dma_wait3A_57 = arith.constant 0 : i32
    %dma_wait3A_58 = arith.constant 0 : i32
    %dma_wait3A_59 = tpu.memref_slice %arg6[%dma_wait3A_57, %dma_wait3A_58] : memref<2x10112xi32, #tpu.memory_space<vmem>> -> memref<2x5120xi32, #tpu.memory_space<vmem>>
    %dma_wait3A_60 = arith.constant 0 : i32
    %dma_wait3A_61 = tpu.memref_slice %arg3[%dma_wait3A_60, %add3A_28] : memref<2x320000xi32, #tpu.memory_space<hbm>> -> memref<2x5120xi32, #tpu.memory_space<hbm>>
    %dma_wait3A_62 = arith.constant 0 : i32
    %dma_wait3A_63 = arith.constant 0 : i32
    %dma_wait3A_64 = tpu.memref_slice %arg6[%dma_wait3A_62, %dma_wait3A_63] : memref<2x10112xi32, #tpu.memory_space<vmem>> -> memref<2x5120xi32, #tpu.memory_space<vmem>>
    %dma_wait3A_65 = arith.constant 0 : i32
    %dma_wait3A_66 = tpu.memref_slice %arg3[%dma_wait3A_65, %add3A_28] : memref<2x320000xi32, #tpu.memory_space<hbm>> -> memref<2x5120xi32, #tpu.memory_space<hbm>>
    tpu.wait_dma2 semaphore(%arg9 : memref<!tpu.dma_semaphore, #tpu.memory_space<semaphore_mem>>) src(%dma_wait3A_66 : memref<2x5120xi32, #tpu.memory_space<hbm>>) dst(%dma_wait3A_64 : memref<2x5120xi32, #tpu.memory_space<vmem>>)
    %parallel_loop3A = arith.constant 0 : i32
    %parallel_loop3A_67 = arith.constant 5120 : i32
    %parallel_loop3A_68 = arith.constant 16 : i32
    scf.for %parallel_loop3A_122 = %parallel_loop3A to %parallel_loop3A_67 step %parallel_loop3A_68  : i32 {
      %parallel_loop3A_123 = arith.constant 0 : i32
      %parallel_loop3A_124 = arith.index_cast %parallel_loop3A_123 : i32 to index
      %parallel_loop3A_125 = arith.index_cast %parallel_loop3A_122 : i32 to index
      %parallel_loop3A_126 = tpu.vector_load %arg6[%parallel_loop3A_124, %parallel_loop3A_125] {strides = array<i32>} : memref<2x10112xi32, #tpu.memory_space<vmem>>, vector<16xi32>,
      %parallel_loop3A_127 = tpu.vector_load_idx %arg5[%parallel_loop3A_126] : memref<10000xf32, #tpu.memory_space<vmem>>[vector<16xi32>], vector<16xf32>,
      %parallel_loop3A_128 = arith.constant 1 : i32
      %parallel_loop3A_129 = arith.index_cast %parallel_loop3A_128 : i32 to index
      %parallel_loop3A_130 = arith.index_cast %parallel_loop3A_122 : i32 to index
      %parallel_loop3A_131 = tpu.vector_load %arg6[%parallel_loop3A_129, %parallel_loop3A_130] {strides = array<i32>} : memref<2x10112xi32, #tpu.memory_space<vmem>>, vector<16xi32>,
      %parallel_loop3A_132 = tpu.vector_load_idx %arg5[%parallel_loop3A_131] : memref<10000xf32, #tpu.memory_space<vmem>>[vector<16xi32>], vector<16xf32>,
      %parallel_loop3A_133 = arith.mulf %parallel_loop3A_127, %parallel_loop3A_132 : vector<16xf32>
      %parallel_loop3A_134 = arith.constant 1.000000e+00 : f32
      %parallel_loop3A_135 = vector.broadcast %parallel_loop3A_134 : f32 to vector<16xf32>
      %parallel_loop3A_136 = arith.addf %parallel_loop3A_135, %parallel_loop3A_133 : vector<16xf32>
      %parallel_loop3A_137 = arith.constant 1.000000e+00 : f32
      %parallel_loop3A_138 = vector.broadcast %parallel_loop3A_137 : f32 to vector<16xf32>
      %parallel_loop3A_139 = arith.divf %parallel_loop3A_138, %parallel_loop3A_136 : vector<16xf32>
      %parallel_loop3A_140 = arith.constant 1.000000e+00 : f32
      %parallel_loop3A_141 = vector.broadcast %parallel_loop3A_140 : f32 to vector<16xf32>
      %parallel_loop3A_142 = arith.subf %parallel_loop3A_141, %parallel_loop3A_139 : vector<16xf32>
      %parallel_loop3A_143 = arith.index_cast %parallel_loop3A_122 : i32 to index
      %parallel_loop3A_144 = tpu.vector_load %arg7[%parallel_loop3A_143] {strides = array<i32>} : memref<10112xf32, #tpu.memory_space<vmem>>, vector<16xf32>,
      tpu.vector_store %arg7[%parallel_loop3A_143], %parallel_loop3A_142 {strides = array<i32>} : memref<10112xf32, #tpu.memory_space<vmem>>, vector<16xf32>,
    } {sc.loop_unroll_factor = 16 : i64, sc.parallel_access}
    %add3A_69 = arith.constant 0 : i32
    %add3A_70 = arith.addi %mul3A_20, %add3A_69 : i32
    %dma_start3A_71 = arith.constant 0 : i32
    %dma_start3A_72 = arith.constant 0 : i32
    %dma_start3A_73 = tpu.memref_slice %arg7[%dma_start3A_72] : memref<10112xf32, #tpu.memory_space<vmem>> -> memref<5120xf32, #tpu.memory_space<vmem>>
    %dma_start3A_74 = tpu.memref_slice %arg4[%dma_start3A_71, %add3A_70] : memref<1x320000xf32, #tpu.memory_space<hbm>> -> memref<1x5120xf32, #tpu.memory_space<hbm>>
    %dma_start3A_75 = tpu.memref_squeeze %dma_start3A_74 : memref<1x5120xf32, #tpu.memory_space<hbm>> -> memref<5120xf32, #tpu.memory_space<hbm>>
    %dma_start3A_76 = tpu.memref_slice %arg4[%dma_start3A_71, %add3A_70] : memref<1x320000xf32, #tpu.memory_space<hbm>> -> memref<1x5120xf32, #tpu.memory_space<hbm>>
    %dma_start3A_77 = tpu.memref_squeeze %dma_start3A_76 : memref<1x5120xf32, #tpu.memory_space<hbm>> -> memref<5120xf32, #tpu.memory_space<hbm>>
    %dma_start3A_78 = arith.constant 0 : i32
    %dma_start3A_79 = tpu.memref_slice %arg7[%dma_start3A_78] : memref<10112xf32, #tpu.memory_space<vmem>> -> memref<5120xf32, #tpu.memory_space<vmem>>
    tpu.enqueue_dma source(%dma_start3A_79 : memref<5120xf32, #tpu.memory_space<vmem>>) target(%dma_start3A_77 : memref<5120xf32, #tpu.memory_space<hbm>>) target_semaphore(%arg11 : memref<!tpu.dma_semaphore, #tpu.memory_space<semaphore_mem>>)
    %dma_wait3A_80 = arith.constant 0 : i32
    %dma_wait3A_81 = arith.constant 5120 : i32
    %dma_wait3A_82 = tpu.memref_slice %arg6[%dma_wait3A_80, %dma_wait3A_81] : memref<2x10112xi32, #tpu.memory_space<vmem>> -> memref<2x4992xi32, #tpu.memory_space<vmem>>
    %dma_wait3A_83 = arith.constant 0 : i32
    %dma_wait3A_84 = tpu.memref_slice %arg3[%dma_wait3A_83, %add3A_40] : memref<2x320000xi32, #tpu.memory_space<hbm>> -> memref<2x4992xi32, #tpu.memory_space<hbm>>
    %dma_wait3A_85 = arith.constant 0 : i32
    %dma_wait3A_86 = arith.constant 5120 : i32
    %dma_wait3A_87 = tpu.memref_slice %arg6[%dma_wait3A_85, %dma_wait3A_86] : memref<2x10112xi32, #tpu.memory_space<vmem>> -> memref<2x4992xi32, #tpu.memory_space<vmem>>
    %dma_wait3A_88 = arith.constant 0 : i32
    %dma_wait3A_89 = tpu.memref_slice %arg3[%dma_wait3A_88, %add3A_40] : memref<2x320000xi32, #tpu.memory_space<hbm>> -> memref<2x4992xi32, #tpu.memory_space<hbm>>
    tpu.wait_dma2 semaphore(%arg10 : memref<!tpu.dma_semaphore, #tpu.memory_space<semaphore_mem>>) src(%dma_wait3A_89 : memref<2x4992xi32, #tpu.memory_space<hbm>>) dst(%dma_wait3A_87 : memref<2x4992xi32, #tpu.memory_space<vmem>>)
    %parallel_loop3A_90 = arith.constant 5120 : i32
    %parallel_loop3A_91 = arith.constant 10112 : i32
    %parallel_loop3A_92 = arith.constant 16 : i32
    scf.for %parallel_loop3A_122 = %parallel_loop3A_90 to %parallel_loop3A_91 step %parallel_loop3A_92  : i32 {
      %parallel_loop3A_123 = arith.constant 0 : i32
      %parallel_loop3A_124 = arith.index_cast %parallel_loop3A_123 : i32 to index
      %parallel_loop3A_125 = arith.index_cast %parallel_loop3A_122 : i32 to index
      %parallel_loop3A_126 = tpu.vector_load %arg6[%parallel_loop3A_124, %parallel_loop3A_125] {strides = array<i32>} : memref<2x10112xi32, #tpu.memory_space<vmem>>, vector<16xi32>,
      %parallel_loop3A_127 = tpu.vector_load_idx %arg5[%parallel_loop3A_126] : memref<10000xf32, #tpu.memory_space<vmem>>[vector<16xi32>], vector<16xf32>,
      %parallel_loop3A_128 = arith.constant 1 : i32
      %parallel_loop3A_129 = arith.index_cast %parallel_loop3A_128 : i32 to index
      %parallel_loop3A_130 = arith.index_cast %parallel_loop3A_122 : i32 to index
      %parallel_loop3A_131 = tpu.vector_load %arg6[%parallel_loop3A_129, %parallel_loop3A_130] {strides = array<i32>} : memref<2x10112xi32, #tpu.memory_space<vmem>>, vector<16xi32>,
      %parallel_loop3A_132 = tpu.vector_load_idx %arg5[%parallel_loop3A_131] : memref<10000xf32, #tpu.memory_space<vmem>>[vector<16xi32>], vector<16xf32>,
      %parallel_loop3A_133 = arith.mulf %parallel_loop3A_127, %parallel_loop3A_132 : vector<16xf32>
      %parallel_loop3A_134 = arith.constant 1.000000e+00 : f32
      %parallel_loop3A_135 = vector.broadcast %parallel_loop3A_134 : f32 to vector<16xf32>
      %parallel_loop3A_136 = arith.addf %parallel_loop3A_135, %parallel_loop3A_133 : vector<16xf32>
      %parallel_loop3A_137 = arith.constant 1.000000e+00 : f32
      %parallel_loop3A_138 = vector.broadcast %parallel_loop3A_137 : f32 to vector<16xf32>
      %parallel_loop3A_139 = arith.divf %parallel_loop3A_138, %parallel_loop3A_136 : vector<16xf32>
      %parallel_loop3A_140 = arith.constant 1.000000e+00 : f32
      %parallel_loop3A_141 = vector.broadcast %parallel_loop3A_140 : f32 to vector<16xf32>
      %parallel_loop3A_142 = arith.subf %parallel_loop3A_141, %parallel_loop3A_139 : vector<16xf32>
      %parallel_loop3A_143 = arith.index_cast %parallel_loop3A_122 : i32 to index
      %parallel_loop3A_144 = tpu.vector_load %arg7[%parallel_loop3A_143] {strides = array<i32>} : memref<10112xf32, #tpu.memory_space<vmem>>, vector<16xf32>,
      tpu.vector_store %arg7[%parallel_loop3A_143], %parallel_loop3A_142 {strides = array<i32>} : memref<10112xf32, #tpu.memory_space<vmem>>, vector<16xf32>,
    } {sc.loop_unroll_factor = 16 : i64, sc.parallel_access}
    %add3A_93 = arith.constant 5120 : i32
    %add3A_94 = arith.addi %mul3A_20, %add3A_93 : i32
    %dma_start3A_95 = arith.constant 0 : i32
    %dma_start3A_96 = arith.constant 5120 : i32
    %dma_start3A_97 = tpu.memref_slice %arg7[%dma_start3A_96] : memref<10112xf32, #tpu.memory_space<vmem>> -> memref<4992xf32, #tpu.memory_space<vmem>>
    %dma_start3A_98 = tpu.memref_slice %arg4[%dma_start3A_95, %add3A_94] : memref<1x320000xf32, #tpu.memory_space<hbm>> -> memref<1x4992xf32, #tpu.memory_space<hbm>>
    %dma_start3A_99 = tpu.memref_squeeze %dma_start3A_98 : memref<1x4992xf32, #tpu.memory_space<hbm>> -> memref<4992xf32, #tpu.memory_space<hbm>>
    %dma_start3A_100 = tpu.memref_slice %arg4[%dma_start3A_95, %add3A_94] : memref<1x320000xf32, #tpu.memory_space<hbm>> -> memref<1x4992xf32, #tpu.memory_space<hbm>>
    %dma_start3A_101 = tpu.memref_squeeze %dma_start3A_100 : memref<1x4992xf32, #tpu.memory_space<hbm>> -> memref<4992xf32, #tpu.memory_space<hbm>>
    %dma_start3A_102 = arith.constant 5120 : i32
    %dma_start3A_103 = tpu.memref_slice %arg7[%dma_start3A_102] : memref<10112xf32, #tpu.memory_space<vmem>> -> memref<4992xf32, #tpu.memory_space<vmem>>
    tpu.enqueue_dma source(%dma_start3A_103 : memref<4992xf32, #tpu.memory_space<vmem>>) target(%dma_start3A_101 : memref<4992xf32, #tpu.memory_space<hbm>>) target_semaphore(%arg11 : memref<!tpu.dma_semaphore, #tpu.memory_space<semaphore_mem>>)
    %dma_wait3A_104 = arith.constant 0 : i32
    %dma_wait3A_105 = arith.constant 0 : i32
    %dma_wait3A_106 = tpu.memref_slice %arg7[%dma_wait3A_105] : memref<10112xf32, #tpu.memory_space<vmem>> -> memref<5120xf32, #tpu.memory_space<vmem>>
    %dma_wait3A_107 = tpu.memref_slice %arg4[%dma_wait3A_104, %add3A_70] : memref<1x320000xf32, #tpu.memory_space<hbm>> -> memref<1x5120xf32, #tpu.memory_space<hbm>>
    %dma_wait3A_108 = tpu.memref_squeeze %dma_wait3A_107 : memref<1x5120xf32, #tpu.memory_space<hbm>> -> memref<5120xf32, #tpu.memory_space<hbm>>
    %dma_wait3A_109 = tpu.memref_slice %arg4[%dma_wait3A_104, %add3A_70] : memref<1x320000xf32, #tpu.memory_space<hbm>> -> memref<1x5120xf32, #tpu.memory_space<hbm>>
    %dma_wait3A_110 = tpu.memref_squeeze %dma_wait3A_109 : memref<1x5120xf32, #tpu.memory_space<hbm>> -> memref<5120xf32, #tpu.memory_space<hbm>>
    %dma_wait3A_111 = arith.constant 0 : i32
    %dma_wait3A_112 = tpu.memref_slice %arg7[%dma_wait3A_111] : memref<10112xf32, #tpu.memory_space<vmem>> -> memref<5120xf32, #tpu.memory_space<vmem>>
    tpu.wait_dma2 semaphore(%arg11 : memref<!tpu.dma_semaphore, #tpu.memory_space<semaphore_mem>>) src(%dma_wait3A_112 : memref<5120xf32, #tpu.memory_space<vmem>>) dst(%dma_wait3A_110 : memref<5120xf32, #tpu.memory_space<hbm>>)
    %dma_wait3A_113 = arith.constant 0 : i32
    %dma_wait3A_114 = arith.constant 5120 : i32
    %dma_wait3A_115 = tpu.memref_slice %arg7[%dma_wait3A_114] : memref<10112xf32, #tpu.memory_space<vmem>> -> memref<4992xf32, #tpu.memory_space<vmem>>
    %dma_wait3A_116 = tpu.memref_slice %arg4[%dma_wait3A_113, %add3A_94] : memref<1x320000xf32, #tpu.memory_space<hbm>> -> memref<1x4992xf32, #tpu.memory_space<hbm>>
    %dma_wait3A_117 = tpu.memref_squeeze %dma_wait3A_116 : memref<1x4992xf32, #tpu.memory_space<hbm>> -> memref<4992xf32, #tpu.memory_space<hbm>>
    %dma_wait3A_118 = tpu.memref_slice %arg4[%dma_wait3A_113, %add3A_94] : memref<1x320000xf32, #tpu.memory_space<hbm>> -> memref<1x4992xf32, #tpu.memory_space<hbm>>
    %dma_wait3A_119 = tpu.memref_squeeze %dma_wait3A_118 : memref<1x4992xf32, #tpu.memory_space<hbm>> -> memref<4992xf32, #tpu.memory_space<hbm>>
    %dma_wait3A_120 = arith.constant 5120 : i32
    %dma_wait3A_121 = tpu.memref_slice %arg7[%dma_wait3A_120] : memref<10112xf32, #tpu.memory_space<vmem>> -> memref<4992xf32, #tpu.memory_space<vmem>>
    tpu.wait_dma2 semaphore(%arg11 : memref<!tpu.dma_semaphore, #tpu.memory_space<semaphore_mem>>) src(%dma_wait3A_121 : memref<4992xf32, #tpu.memory_space<vmem>>) dst(%dma_wait3A_119 : memref<4992xf32, #tpu.memory_space<hbm>>)
    return
  }
}

module attributes {stable_mosaic.version = 14 : i64} {
  func.func @_matvec_body(%arg0: memref<10000x128xf32, #tpu.memory_space<vmem>>, %arg1: memref<1x128xf32, #tpu.memory_space<vmem>>, %arg2: memref<1x1xf32, #tpu.memory_space<vmem>>, %arg3: memref<1x10000xf32, #tpu.memory_space<vmem>>) attributes {dimension_semantics = [], scalar_prefetch = 0 : i64, scratch_operands = 0 : i64, tpu.core_type = #tpu.core_type<tc>} {
    %get3A = arith.constant 0 : index
    %get3A_0 = arith.constant 0 : index
    %get3A_1 = vector.load %arg1[%get3A, %get3A_0] : memref<1x128xf32, #tpu.memory_space<vmem>>, vector<1x128xf32>
    %get3A_2 = arith.constant 0 : index
    %get3A_3 = arith.constant 0 : index
    %get3A_4 = vector.load %arg0[%get3A_2, %get3A_3] : memref<10000x128xf32, #tpu.memory_space<vmem>>, vector<10000x128xf32>
    %dot_general3A = arith.constant dense<0.000000e+00> : vector<1x10000xf32>
    %dot_general3A_5 = tpu.matmul %get3A_1, %get3A_4, %dot_general3A {dimension_numbers = #tpu.dot_dimension_numbers<[1], [1], [0], [0], [0, 0, 1, 0], [], []>, transpose_lhs_hint = false} : vector<1x128xf32>, vector<10000x128xf32>, vector<1x10000xf32> -> vector<1x10000xf32>
    %get3A_6 = arith.constant 0 : index
    %get3A_7 = arith.constant 0 : index
    %get3A_8 = vector.load %arg2[%get3A_6, %get3A_7] : memref<1x1xf32, #tpu.memory_space<vmem>>, vector<1x1xf32>
    %get3A_9 = vector.extract %get3A_8[0, 0] : f32 from vector<1x1xf32>
    %mul3A = arith.constant 5.000000e-01 : f32
    %mul3A_10 = arith.mulf %get3A_9, %mul3A : f32
    %add3A = vector.broadcast %mul3A_10 : f32 to vector<1x10000xf32>
    %add3A_11 = arith.addf %dot_general3A_5, %add3A : vector<1x10000xf32>
    %exp3A = math.exp %add3A_11 : vector<1x10000xf32>
    %swap3A = arith.constant 0 : index
    %swap3A_12 = arith.constant 0 : index
    %swap3A_13 = vector.load %arg3[%swap3A, %swap3A_12] : memref<1x10000xf32, #tpu.memory_space<vmem>>, vector<1x10000xf32>
    tpu.vector_store %arg3[%swap3A, %swap3A_12], %exp3A {strides = array<i32>} : memref<1x10000xf32, #tpu.memory_space<vmem>>, vector<1x10000xf32>,
    return
  }
}

</mosaic_0001>

<sc_bundles>
// kernel: kernel.4.cloned.1.call-start
scs
__scs_entry_jumppad:
0x0: {  	(pc) =	sbr.rel $0x88, $3  }
0x1: {  	(tag) =	ssettag $0x0;
	lr =	simm.s32 $0x1  }
0x2: {  	[smem:$0x3F9D] =	sst lr;
	_ =	strace $0xD0000000  }
0x3: {  	_ = 	snop  }
0x4: {  	_ = 	snop  }
0x5: {  	_ = 	snop  }
0x6: {  	_ = 	snop  }
0x7: {  	_ = 	snop  }
__scs_overlays_trampoline_lowered:
0x8: {  	[smem:$0x3FAC] =	sst s0  }
0x9: {  	[smem:$0x3FAD] =	sst s1  }
0xa: {  	[smem:$0x3FAE] =	sst s2  }
0xb: {  	[smem:$0x3FAF] =	sst s3  }
0xc: {  	[smem:$0x3FB0] =	sst s4  }
0xd: {  	[smem:$0x3FB1] =	sst s5  }
0xe: {  	[smem:$0x3FB2] =	sst s6  }
0xf: {  	[smem:$0x3FB3] =	sst s7  }
0x10: {  	[smem:$0x3FB4] =	sst s8  }
0x11: {  	[smem:$0x3FB5] =	sst s9;
	s0 =	simm.s32 @!p0 $0x0  }
0x12: {  	s1 =	sld [smem:$0x3F9B];
	s0 =	simm.s32 @p0 $0x1  }
0x13: {  	[smem:$0x3FB6] =	sst s0;
	s0 =	simm.s32 @!p1 $0x0  }
0x14: {  	s2 =	sld [smem:$0x3F9A];
	s0 =	simm.s32 @p1 $0x1  }
0x15: {  	[smem:$0x3FB7] =	sst s0;
	s0 =	simm.s32 @!p2 $0x0  }
0x16: {  	s3 =	sld [smem:$0x3FDB];
	s0 =	simm.s32 @p2 $0x1  }
0x17: {  	s4 =	simm.s32 $0x1BF5;
	[smem:$0x3FB9] =	sst s0  }
0x18: {  	s0 =	sld [smem:$0x3F9C];
	_ =	swait.ge [sflag:s4], $0x0  }
0x19: {  	s7 =	sld [smem:$0x3F9D]  }
0x1a: {  	s8 =	sadd.s32 $0xFFFFE003, lr  }
0x1b: {  	s9 =	sadd.s32 $0xFFFFFEF7, lr;
	s5 =	simm.s32 $0xFFFFFFFF;
	p2 =	slt.u32 s8, $0xFFFFF086  }
0x1c: {  	p1 =	slt.u32 s9, $0xF7A;
	s5 =	simm.s32 @!p2 $0x0  }
0x1d: {  	s5 =	simm.s32 @p1 $0x1;
	p0 =	seq.s32 s7, s2  }
0x1e: {  	s7 =	smul.u32 @!p0 $0xF7A, s2;
	p2 =	seq.s32 @!p0 s5, $0x0  }
0x1f: {  	s9 =	smul.u32 $0xF7A, s1;
	s8 =	simm.s32 @!p0 $0x1BF5;
	p2 =	por !p2, p0  }
0x20: {  	[sflag:s8] =	ssyncset.s32 @!p0 $0xFFFFF086;
	s6 =	sadd.s32 @!p0 s3, s7;
	s7 =	simm.s32 @!p0 $0x108  }
0x21: {  	s3 =	sadd.s32 s3, s9;
	s6 =	sadd.s32 @!p0 $0x88, s6;
	s7 =	simm.s32 @p2 $0x1082  }
0x22: {  	[simem:s7], [sflag:s8] =	dma.local @!p0 [hbm:s6], $0xF7A  }
0x23: {  	s9 =	sor.u32 $0xD0000000, s2;
	s6 =	simm.s32 $0x108;
	_ =	swait.ge @!p0 [sflag:s8], $0x0  }
0x24: {  	s3 =	sadd.s32 $0x88, s3;
	s6 =	simm.s32 @!p1 $0x1082;
	[sflag:s4] =	ssyncset.s32 $0xFFFFF086  }
0x25: {  	[simem:s6], [sflag:s4] =	dma.local [hbm:s3], $0xF7A  }
0x26: {  	[smem:$0x3F9D] =	sst s1;
	(tag) =	ssettag s2;
	_ =	strace s9  }
0x27: {  	s1 =	sld [smem:$0x3FAD]  }
0x28: {  	s2 =	sld [smem:$0x3FAE]  }
0x29: {  	s4 =	sld [smem:$0x3FB0]  }
0x2a: {  	p0 =	seq.s32 s5, $0x0;
	s5 =	sld [smem:$0x3FB1]  }
0x2b: {  	s6 =	sld [smem:$0x3FB2]  }
0x2c: {  	s7 =	sld [smem:$0x3FB3]  }
0x2d: {  	s3 =	simm.s32 $0x108;
	s8 =	sld [smem:$0x3FB4]  }
0x2e: {  	s3 =	simm.s32 @!p0 $0x1082;
	s9 =	sld [smem:$0x3FB5]  }
0x2f: {  	lr =	sadd.s32 s0, s3;
	s0 =	sld [smem:$0x3FAC]  }
0x30: {  	s3 =	sld [smem:$0x3FAF]  }
0x31: {  	[smem:$0x3FB8] =	sst s10  }
0x32: {  	s10 =	sld [smem:$0x3FB6];
	_ =	sdelay $0x3  }
0x33: {  	p0 =	seq.s32 s10, $0x1;
	s10 =	sld [smem:$0x3FB8];
	_ =	sdelay $0x3  }
0x34: {  	[smem:$0x3FB8] =	sst s10  }
0x35: {  	s10 =	sld [smem:$0x3FB7];
	_ =	sdelay $0x3  }
0x36: {  	p1 =	seq.s32 s10, $0x1;
	s10 =	sld [smem:$0x3FB8];
	_ =	sdelay $0x3  }
0x37: {  	[smem:$0x3FB8] =	sst s10  }
0x38: {  	s10 =	sld [smem:$0x3FB9]  }
0x39: {  	_ = 	snop;
	(pc) =	sbr.ind lr, $3  }
0x3a: {  	_ = 	snop  }
0x3b: {  	_ = 	snop  }
0x3c: {  	p2 =	seq.s32 s10, $0x1;
	s10 =	sld [smem:$0x3FB8]  }
0x3d: {  	_ =	shalt  }
0x3e: {  	_ =	shalt  }
0x3f: {  	_ =	shalt  }
0x40: {  	_ =	shalt  }
0x41: {  	_ =	shalt  }
0x42: {  	_ =	shalt  }
0x43: {  	_ =	shalt  }
0x44: {  	_ =	shalt  }
0x45: {  	_ =	shalt  }
0x46: {  	_ =	shalt  }
0x47: {  	_ =	shalt  }
0x48: {  	_ =	shalt  }
0x49: {  	_ =	shalt  }
0x4a: {  	_ =	shalt  }
0x4b: {  	_ =	shalt  }
0x4c: {  	_ =	shalt  }
0x4d: {  	_ =	shalt  }
0x4e: {  	_ =	shalt  }
0x4f: {  	_ =	shalt  }
0x50: {  	_ =	shalt  }
0x51: {  	_ =	shalt  }
0x52: {  	_ =	shalt  }
0x53: {  	_ =	shalt  }
0x54: {  	_ =	shalt  }
0x55: {  	_ =	shalt  }
0x56: {  	_ =	shalt  }
0x57: {  	_ =	shalt  }
0x58: {  	_ =	shalt  }
0x59: {  	_ =	shalt  }
0x5a: {  	_ =	shalt  }
0x5b: {  	_ =	shalt  }
0x5c: {  	_ =	shalt  }
0x5d: {  	_ =	shalt  }
0x5e: {  	_ =	shalt  }
0x5f: {  	_ =	shalt  }
0x60: {  	_ =	shalt  }
0x61: {  	_ =	shalt  }
0x62: {  	_ =	shalt  }
0x63: {  	_ =	shalt  }
0x64: {  	_ =	shalt  }
0x65: {  	_ =	shalt  }
0x66: {  	_ =	shalt  }
0x67: {  	_ =	shalt  }
0x68: {  	_ =	shalt  }
0x69: {  	_ =	shalt  }
0x6a: {  	_ =	shalt  }
0x6b: {  	_ =	shalt  }
0x6c: {  	_ =	shalt  }
0x6d: {  	_ =	shalt  }
0x6e: {  	_ =	shalt  }
0x6f: {  	_ =	shalt  }
0x70: {  	_ =	shalt  }
0x71: {  	_ =	shalt  }
0x72: {  	_ =	shalt  }
0x73: {  	_ =	shalt  }
0x74: {  	_ =	shalt  }
0x75: {  	_ =	shalt  }
0x76: {  	_ =	shalt  }
0x77: {  	_ =	shalt  }
0x78: {  	_ =	shalt  }
0x79: {  	_ =	shalt  }
0x7a: {  	_ =	shalt  }
0x7b: {  	_ =	shalt  }
0x7c: {  	_ =	shalt  }
0x7d: {  	_ =	shalt  }
0x7e: {  	_ =	shalt  }
0x7f: {  	_ =	shalt  }
0x80: {  	_ =	shalt  }
0x81: {  	_ =	shalt  }
0x82: {  	_ =	shalt  }
0x83: {  	_ =	shalt  }
0x84: {  	_ =	shalt  }
0x85: {  	_ =	shalt  }
0x86: {  	_ =	shalt  }
0x87: {  	_ =	shalt  }
.Lfunc_end0:
.L_simem_size_0:
called_computation_lowered:
.L_overlay_start_0:
0x88: {  	s2 =	sld [smem:$0x3FD9]  }
0x89: {  	s3 =	sld [smem:$0x3FFE];
	_ =	sdelay $0x1  }
0x8a: {  	s1 =	srdreg.scid  }
0x8b: {  	s0 =	sand.u32 $0x1, s1  }
0x8c: {  	s17 =	sshll.u32 s0, $0xA;
	s2 =	sadd.s32 s3, s2  }
0x8d: {  	s2 =	sadd.s32 s2, s17  }
0x8e: {  	[smem:$0x3FC4] =	sst s2  }
0x8f: {  	_ = 	snop  }
0x90: {  	s2 =	sld [smem:$0x3FC8]  }
0x91: {  	s18 =	sld [smem:$0x3FD0];
	(tm) =	ssettm $0x1  }
0x92: {  	s4 =	sld [smem:$0x3FFB];
	_ =	sdelay $0x3  }
0x93: {  	_ =	strace s4  }
0x94: {  	s4 =	sld [smem:$0x3FFC];
	_ =	sdelay $0x3  }
0x95: {  	_ =	strace s4  }
0x96: {  	s4 =	sld [smem:$0x3FFD];
	_ =	sdelay $0x3  }
0x97: {  	_ =	strace s4  }
0x98: {  	_ =	strace $0x8FFFFFFF  }
0x99: {  	s19 =	sld [smem:$0x3FDB];
	_ =	sdelay $0x1  }
0x9a: {  	s5 =	simm.s32 $_scs_section_size  }
0x9b: {  	s6 =	simm.s32 $_size__tile_overlayer_lowered;
	s7 =	simm.s32 $_tile_overlayer_lowered  }
0x9c: {  	s22 =	simm.s32 $0x1BFF;
	s21 =	sshll.u32 s7, $0x1;
	s4 =	sadd.s32 s5, s19  }
0x9d: {  	s8 =	simm.s32 $0x0;
	s20 =	sshll.u32 s6, $0x1;
	s6 =	sadd.s32 s21, s4  }
0x9e: {  	[timem:s8], [sflag:s22] =	dma.local [hbm:s6], s20  }
0x9f: {  	_ =	swait.ge [sflag:s22], s20  }
0xa0: {  	s5 =	ssub.s32 $0x0, s20;
	[sflag:s22] =	ssyncset.done $0x0  }
0xa1: {  	[sflag:s22] =	ssyncadd.s32 s5;
	_ =	sdelay $0x1  }
0xa2: {  	s23 =	simm.s32 $0x1B8B  }
0xa3: {  	_ =	swait.ge [sflag:s23], $0x1  }
0xa4: {  	[sflag:s23] =	ssyncset.done $0x0  }
0xa5: {  	s25 =	simm.s32 $0x1B8E;
	s24 =	sld [smem:$0x3FFE];
	[sflag:s23] =	ssyncadd.s32 $0xFFFFFFFF  }
0xa6: {  	s26 =	simm.s32 $execute0_lowered;
	[smem:$0x3FD2] =	sst s25  }
0xa7: {  	s6 =	sshll.u32 s26, $0x1;
	_ =	strace $0x80000046;
	[dreg:$0x1] =	wrdreg $0xFFFFFFFF  }
0xa8: {  	s28 =	simm.s32 $_size_execute0_lowered;
	s4 =	sadd.s32 s4, s6;
	[dreg:$0x0] =	wrdreg $0x0  }
0xa9: {  	s6 =	sshll.u32 s28, $0x1;
	[dreg:$0x2] =	wrdreg s4  }
0xaa: {  	[dreg:$0x3] =	wrdreg s6  }
0xab: {  	[dreg:$0x4] =	wrdreg $0xC0  }
0xac: {  	_ =	task [dreg:s8], $0x5FFFF  }
0xad: {  	[dreg:$0x1] =	wrdreg $0xFFFFFFFF  }
0xae: {  	[dreg:$0x0] =	wrdreg $0x60  }
0xaf: {  	[dreg:$0x2] =	wrdreg s24  }
0xb0: {  	[dreg:$0x3] =	wrdreg s2  }
0xb1: {  	[dreg:$0x4] =	wrdreg s18  }
0xb2: {  	[dreg:$0x5] =	wrdreg $0x9  }
0xb3: {  	_ =	task.clear_ibuf [dreg:s8], $0x6FFFF;
	_ =	strace $0x90000046  }
0xb4: {  	s29 =	simm.s32 $0x9;
	_ =	strace $0x80000048  }
0xb5: {  	_ =	swait.ge [sflag:s29], $0x1  }
0xb6: {  	[sflag:s29] =	ssyncadd.s32 $0xFFFFFFFF  }
0xb7: {  	_ =	strace $0x90000048  }
0xb8: {  	_ =	sfence  }
0xb9: {  	s30 =	sld [smem:$0x0];
	_ =	sdelay $0x2  }
0xba: {  	s31 =	sshll.u32 s1, $0xD;
	s1 =	sshrl.u32 s1, $0x2  }
0xbb: {  	s3 =	sand.u32 $0x4000, s31;
	s1 =	sadd.s32 s1, s30  }
0xbc: {  	s0 =	sor.u32 s3, s0;
	s1 =	sshll.u32 s1, $0x11  }
0xbd: {  	s0 =	sor.u32 s1, s0  }
0xbe: {  	s0 =	sadd.s32 $0x8F2B, s0  }
0xbf: {  	[sflag:s0] =	ssyncadd.remote.s32 $0x1  }
0xc0: {  	_ =	sfence.sel $0xFFFF  }
0xc1: {  	[dreg:$0x0] =	wrdreg $0xFFFFFFFF;
	(pc) =	sbr.abs _section_cstart, $3  }
0xc2: {  	[dreg:$0x1] =	wrdreg $0xFFFFFFFF  }
0xc3: {  	_ =	task.clear_ibuf [dreg:s8], $0x2FFFF;
	_ =	strace $0x9FFFFFFF  }
0xc4: {  	(tm) =	ssettm $0x7FFFFFFF  }
0xc5: {  	_ =	shalt  }
tec
execute0_lowered:
.L_overlay_start_1:
0x0: {  	(tag) =	ssettag $0x1  }
0x1: {  	s3 =	rddreg [dreg:$0x0]  }
0x2: {  	s1 =	srdreg.scid;
	s5 =	rddreg [dreg:$0x1]  }
0x3: {  	s0 =	stileid.u32;
	s7 =	rddreg [dreg:$0x2];
	s2 =	simm.s32 $0x0  }
0x4: {  	s11 =	simm.s32 $0x1;
	s12 =	simm.s32 $0x2;
	s13 =	simm.s32 $0x7680  }
0x5: {  	s14 =	simm.s32 $0x3;
	s15 =	simm.s32 $0x8A80;
	s16 =	simm.s32 $0x4  }
0x6: {  	s17 =	simm.s32 $0x0;
	s4 =	sand.u32 $0x1, s1;
	s30 =	sshll.u32 s0, $0x1  }
0x7: {  	s1 =	rddreg [dreg:$0x3];
	s6 =	sor.u32 s4, s30;
	s4 =	ssub.s32 $0x2, s4  }
0x8: {  	[smem:$0x7FF] =	sst s2;
	s6 =	smul.u32 $0x9C4, s6;
	s9 =	sshrl.u32 s4, $0x1  }
0x9: {  	s3 =	sadd.s32 $0xA00, s3;
	_ =	strace $0x80000047;
	s9 =	ssub.s32 s4, s9  }
0xa: {  	s8 =	sshrl.u32 s6, $0x5;
	s31 =	sand.u32 $0x1FFE0, s6;
	s6 =	sshrl.u32 s6, $0x1  }
0xb: {  	s8 =	sadd.s32 $0x28, s8;
	s4 =	sadd.s32 s5, s31;
	s6 =	sand.u32 $0xFFF0, s6  }
0xc: {  	s10 =	sshll.u32 s8, $0x5;
	s8 =	sshll.u32 s8, $0x4;
	s6 =	sadd.s32 s7, s6  }
0xd: {  	s10 =	sand.u32 $0x1FFFFFE0, s10;
	s7 =	sadd.s32 s7, s8;
	s8 =	smax.u32 s9, $0x1  }
0xe: {  	s9 =	simm.s32 $0x2780;
	s5 =	sadd.s32 s5, s10;
	s10 =	simm.s32 $0x4F80  }
.LBB2_1:
0xf: {  	[tilespmem:s2], [sflag:$0x1] =	stream.linear.gather [hbm4b:s3+s2], $0x2780, $0x38;
	[tilespmem:$0x9E00] =	vst v63  }
0x10: {  	_ = 	snop  }
0x11: {  	[tilespmem:s9], [sflag:$0x2] =	stream.linear.gather [hbm4b:s4+s2], $0x2800, $0x38;
	[tilespmem:$0x9E00] =	vst v63  }
0x12: {  	_ = 	snop  }
0x13: {  	[tilespmem:s10], [sflag:$0x3] =	stream.linear.gather [hbm4b:s5+s2], $0x2700, $0x38;
	[tilespmem:$0x9E00] =	vst v63  }
0x14: {  	_ =	swait.ge [sflag:s11], $0x2780  }
0x15: {  	[sflag:s11] =	ssyncset.done $0x0  }
0x16: {  	[sflag:s11] =	ssyncadd.s32 $0xFFFFD880  }
0x17: {  	_ =	swait.ge [sflag:s12], $0x2800  }
0x18: {  	[sflag:s12] =	ssyncset.done $0x0  }
0x19: {  	s18 =	simm.s32 $0x2880;
	[sflag:s12] =	ssyncadd.s32 $0xFFFFD800  }
0x1a: {  	v0 =	vld [tilespmem:s18+$0x70]  }
0x1b: {  	v1 =	vld [tilespmem:s18+$0xF0]  }
0x1c: {  	v2 =	vld [tilespmem:s18+$0xFFFFFF80]  }
0x1d: {  	v3 =	vld [tilespmem:s18+$0xFFFFFF10]  }
0x1e: {  	v4 =	vld [tilespmem:s18+$0xFFFFFF90]  }
0x1f: {  	v5 =	vld [tilespmem:s18+$0xFFFFFF20]  }
0x20: {  	v6 =	vld [tilespmem:s18+$0xFFFFFFA0]  }
0x21: {  	v7 =	vld [tilespmem:s18+$0xFFFFFF30]  }
0x22: {  	v8 =	vld [tilespmem:s18+$0xFFFFFFB0]  }
0x23: {  	v9 =	vld [tilespmem:s18+$0xFFFFFF40]  }
0x24: {  	v10 =	vld [tilespmem:s18+$0xFFFFFFC0]  }
0x25: {  	v11 =	vld [tilespmem:s18+$0xFFFFFF50]  }
0x26: {  	v12 =	vld [tilespmem:s18+$0xFFFFFFD0]  }
0x27: {  	v13 =	vld [tilespmem:s18+$0xFFFFFF60]  }
0x28: {  	v14 =	vld [tilespmem:s18+$0xFFFFFFE0]  }
0x29: {  	v15 =	vld [tilespmem:s18+$0xFFFFFF70]  }
0x2a: {  	v16 =	vld [tilespmem:s18+$0xFFFFFFF0]  }
0x2b: {  	v17 =	vld [tilespmem:s18+$0x0]  }
0x2c: {  	v18 =	vld [tilespmem:s18+$0x80]  }
0x2d: {  	v19 =	vld [tilespmem:s18+$0x10]  }
0x2e: {  	v20 =	vld [tilespmem:s18+$0x90]  }
0x2f: {  	v21 =	vld [tilespmem:s18+$0x20]  }
0x30: {  	v22 =	vld [tilespmem:s18+$0xA0]  }
0x31: {  	v23 =	vld [tilespmem:s18+$0x30]  }
0x32: {  	v24 =	vld [tilespmem:s18+$0xB0]  }
0x33: {  	v25 =	vld [tilespmem:s18+$0x40]  }
0x34: {  	v26 =	vld [tilespmem:s18+$0xC0]  }
0x35: {  	v27 =	vld [tilespmem:s18+$0x50]  }
0x36: {  	v28 =	vld [tilespmem:s18+$0xD0]  }
0x37: {  	v29 =	vld [tilespmem:s18+$0x60]  }
0x38: {  	v30 =	vld [tilespmem:s18+$0xE0]  }
0x39: {  	v31 =	vld [tilespmem:s18+$0xFFFFFF00]  }
0x3a: {  	v0 =	vld.idx.msk [tilespmem:v0+s2+$0x0], $0xffff  }
0x3b: {  	v1 =	vld.idx.msk [tilespmem:v1+s2+$0x0], $0xffff  }
0x3c: {  	v2 =	vld.idx.msk [tilespmem:v2+s2+$0x0], $0xffff  }
0x3d: {  	v3 =	vld.idx.msk [tilespmem:v3+s2+$0x0], $0xffff  }
0x3e: {  	v4 =	vld.idx.msk [tilespmem:v4+s2+$0x0], $0xffff  }
0x3f: {  	v5 =	vld.idx.msk [tilespmem:v5+s2+$0x0], $0xffff  }
0x40: {  	v6 =	vld.idx.msk [tilespmem:v6+s2+$0x0], $0xffff  }
0x41: {  	v7 =	vld.idx.msk [tilespmem:v7+s2+$0x0], $0xffff  }
0x42: {  	v8 =	vld.idx.msk [tilespmem:v8+s2+$0x0], $0xffff  }
0x43: {  	v31 =	vld.idx.msk [tilespmem:v31+s2+$0x0], $0xffff  }
0x44: {  	v9 =	vld.idx.msk [tilespmem:v9+s2+$0x0], $0xffff;
	v0 =	vmul.f32 v1, v0  }
0x45: {  	v1 =	vld.idx.msk [tilespmem:v10+s2+$0x0], $0xffff  }
0x46: {  	v10 =	vld.idx.msk [tilespmem:v11+s2+$0x0], $0xffff;
	v3 =	vmul.f32 v4, v3;
	v0 =	vadd.f32 $1.000000000e+00, v0  }
0x47: {  	v4 =	vld.idx.msk [tilespmem:v12+s2+$0x0], $0xffff;
	v5 =	vmul.f32 v6, v5  }
0x48: {  	v6 =	vld.idx.msk [tilespmem:v13+s2+$0x0], $0xffff;
	(erf) = vrcp.f32 v0;
	v0 =	vadd.f32 $1.000000000e+00, v3  }
0x49: {  	v5 =	vadd.f32 $1.000000000e+00, v5;
	v3 =	vmul.f32 v8, v7;
	v7 =	vld.idx.msk [tilespmem:v14+s2+$0x0], $0xffff  }
0x4a: {  	v2 =	vmul.f32 v2, v31;
	v8 =	vld.idx.msk [tilespmem:v15+s2+$0x0], $0xffff;
	(erf) = vrcp.f32 v0  }
0x4b: {  	v1 =	vmul.f32 v1, v9;
	v0 =	vadd.f32 $1.000000000e+00, v3;
	v3 =	vld.idx.msk [tilespmem:v16+s2+$0x0], $0xffff;
	(erf) = vrcp.f32 v5  }
0x4c: {  	v2 =	vadd.f32 $1.000000000e+00, v2;
	v5 =	vld.idx.msk [tilespmem:v17+s2+$0x0], $0xffff  }
0x4d: {  	v4 =	vmul.f32 v4, v10;
	v1 =	vadd.f32 $1.000000000e+00, v1;
	(erf) = vrcp.f32 v0;
	v0 =	vld.idx.msk [tilespmem:v18+s2+$0x0], $0xffff  }
0x4e: {  	v9 =	vld.idx.msk [tilespmem:v20+s2+$0x0], $0xffff;
	(erf) = vrcp.f32 v2  }
0x4f: {  	v4 =	vadd.f32 $1.000000000e+00, v4;
	v2 =	vld.idx.msk [tilespmem:v19+s2+$0x0], $0xffff;
	(erf) = vrcp.f32 v1;
	v1 =	vmul.f32 v7, v6  }
0x50: {  	v62 =	vld.idx.msk [tilespmem:v24+s2+$0x0], $0xffff  }
0x51: {  	v10 =	vld.idx.msk [tilespmem:v21+s2+$0x0], $0xffff;
	v3 =	vmul.f32 v3, v8;
	v1 =	vadd.f32 $1.000000000e+00, v1;
	v7 =	vpop (erf);
	(erf) = vrcp.f32 v4  }
0x52: {  	v6 =	vld.idx.msk [tilespmem:v22+s2+$0x0], $0xffff;
	v4 =	vmul.f32 v0, v5  }
0x53: {  	v11 =	vld.idx.msk [tilespmem:v23+s2+$0x0], $0xffff;
	v3 =	vadd.f32 $1.000000000e+00, v3;
	v7 =	vsub.f32 $1.000000000e+00, v7;
	v8 =	vpop (erf);
	(erf) = vrcp.f32 v1  }
0x54: {  	s18 =	simm.s32 $0x7700;
	v0 =	vld.idx.msk [tilespmem:v25+s2+$0x0], $0xffff;
	v9 =	vmul.f32 v9, v2;
	v5 =	vsub.f32 $1.000000000e+00, v8;
	v8 =	vpop (erf)  }
0x55: {  	v2 =	vld.idx.msk [tilespmem:v26+s2+$0x0], $0xffff;
	[tilespmem:s18+$0x70] =	vst v7;
	(erf) = vrcp.f32 v3;
	v7 =	vsub.f32 $1.000000000e+00, v8;
	v8 =	vadd.f32 $1.000000000e+00, v4  }
0x56: {  	v1 =	vld.idx.msk [tilespmem:v27+s2+$0x0], $0xffff;
	v63 =	vadd.f32 $1.000000000e+00, v9;
	v4 =	vpop (erf)  }
0x57: {  	v9 =	vmul.f32 v6, v10;
	[tilespmem:s18+$0xFFFFFF90] =	vst v5;
	v5 =	vsub.f32 $1.000000000e+00, v4;
	v3 =	vpop (erf);
	v4 =	vld.idx.msk [tilespmem:v28+s2+$0x0], $0xffff;
	(erf) = vrcp.f32 v8  }
0x58: {  	[tilespmem:s18+$0xFFFFFFA0] =	vst v7;
	v6 =	vsub.f32 $1.000000000e+00, v3;
	v3 =	vld.idx.msk [tilespmem:v29+s2+$0x0], $0xffff  }
0x59: {  	s19 =	simm.s32 $0x0;
	s20 =	simm.s32 $0x2A80;
	v8 =	vadd.f32 $1.000000000e+00, v9;
	v9 =	vmul.f32 v62, v11;
	[tilespmem:s18+$0xFFFFFFB0] =	vst v5;
	v5 =	vld.idx.msk [tilespmem:v30+s2+$0x0], $0xffff;
	(erf) = vrcp.f32 v63;
	v7 =	vpop (erf)  }
.LBB2_2:
0x5a: {  	v10 =	vld [tilespmem:s20+$0x70];
	[tilespmem:s18+$0xFFFFFF80] =	vst v6;
	v6 =	vsub.f32 $1.000000000e+00, v7;
	v7 =	vpop (erf)  }
0x5b: {  	s19 =	sadd.s32 $0x100, s19;
	v0 =	vmul.f32 v2, v0;
	v11 =	vld [tilespmem:s20+$0xF0];
	v9 =	vadd.f32 $1.000000000e+00, v9;
	(erf) = vrcp.f32 v8  }
0x5c: {  	p0 =	slt.u32 s19, $0x1300;
	v2 =	vld [tilespmem:s20+$0xFFFFFF80];
	[tilespmem:s18+$0xFFFFFFC0] =	vst v6;
	v6 =	vsub.f32 $1.000000000e+00, v7;
	v7 =	vpop (erf)  }
0x5d: {  	v0 =	vadd.f32 $1.000000000e+00, v0;
	v1 =	vmul.f32 v4, v1;
	v8 =	vld [tilespmem:s20+$0xFFFFFF10];
	(erf) = vrcp.f32 v9  }
0x5e: {  	v12 =	vsub.f32 $1.000000000e+00, v7;
	v4 =	vld [tilespmem:s20+$0xFFFFFF90];
	[tilespmem:s18+$0xFFFFFFD0] =	vst v6;
	v7 =	vpop (erf)  }
0x5f: {  	v1 =	vadd.f32 $1.000000000e+00, v1;
	v3 =	vmul.f32 v5, v3;
	v9 =	vld [tilespmem:s20+$0xFFFFFF20];
	(erf) = vrcp.f32 v0  }
0x60: {  	v0 =	vld [tilespmem:s20+$0xFFFFFFA0];
	[tilespmem:s18+$0xFFFFFFE0] =	vst v12;
	v12 =	vsub.f32 $1.000000000e+00, v7;
	v6 =	vpop (erf)  }
0x61: {  	v3 =	vadd.f32 $1.000000000e+00, v3;
	v7 =	vld [tilespmem:s20+$0xFFFFFF30];
	v13 =	vsub.f32 $1.000000000e+00, v6;
	(erf) = vrcp.f32 v1  }
0x62: {  	v1 =	vld.idx.msk [tilespmem:v10+s2+$0x0], $0xffff;
	[tilespmem:s18+$0xFFFFFFF0] =	vst v12;
	v5 =	vpop (erf)  }
0x63: {  	v10 =	vld.idx.msk [tilespmem:v11+s2+$0x0], $0xffff;
	[tilespmem:s18+$0x0] =	vst v13;
	v5 =	vsub.f32 $1.000000000e+00, v5;
	(erf) = vrcp.f32 v3  }
0x64: {  	v3 =	vld [tilespmem:s20+$0xFFFFFFB0];
	v6 =	vpop (erf)  }
0x65: {  	v11 =	vld [tilespmem:s20+$0xFFFFFF40];
	[tilespmem:s18+$0x10] =	vst v5;
	v5 =	vsub.f32 $1.000000000e+00, v6  }
0x66: {  	v6 =	vld [tilespmem:s20+$0xFFFFFFC0];
	v12 =	vpop (erf)  }
0x67: {  	v13 =	vld [tilespmem:s20+$0xFFFFFF50];
	[tilespmem:s18+$0x20] =	vst v5;
	v5 =	vsub.f32 $1.000000000e+00, v12  }
0x68: {  	v12 =	vld [tilespmem:s20+$0xFFFFFFD0];
	v14 =	vpop (erf)  }
0x69: {  	v1 =	vmul.f32 v10, v1;
	v15 =	vld [tilespmem:s20+$0xFFFFFF60];
	[tilespmem:s18+$0x30] =	vst v5;
	v5 =	vsub.f32 $1.000000000e+00, v14  }
0x6a: {  	v10 =	vld [tilespmem:s20+$0xFFFFFFE0];
	v14 =	vpop (erf)  }
0x6b: {  	v1 =	vadd.f32 $1.000000000e+00, v1;
	v16 =	vld [tilespmem:s20+$0xFFFFFF70];
	[tilespmem:s18+$0x40] =	vst v5;
	v5 =	vsub.f32 $1.000000000e+00, v14  }
0x6c: {  	v14 =	vld [tilespmem:s20+$0xFFFFFFF0];
	v17 =	vpop (erf)  }
0x6d: {  	v18 =	vld [tilespmem:s20+$0x0];
	(erf) = vrcp.f32 v1;
	[tilespmem:s18+$0x50] =	vst v5;
	v1 =	vsub.f32 $1.000000000e+00, v17  }
0x6e: {  	v5 =	vld [tilespmem:s20+$0x80]  }
0x6f: {  	v17 =	vld [tilespmem:s20+$0x10];
	[tilespmem:s18+$0x60] =	vst v1  }
0x70: {  	v1 =	vld [tilespmem:s20+$0x90]  }
0x71: {  	v19 =	vld [tilespmem:s20+$0x20]  }
0x72: {  	v20 =	vld [tilespmem:s20+$0xA0]  }
0x73: {  	v21 =	vld [tilespmem:s20+$0x30]  }
0x74: {  	v22 =	vld [tilespmem:s20+$0xB0]  }
0x75: {  	v23 =	vld [tilespmem:s20+$0x40]  }
0x76: {  	v24 =	vld [tilespmem:s20+$0xC0];
	v25 =	vpop (erf)  }
0x77: {  	v26 =	vld [tilespmem:s20+$0x50];
	v25 =	vsub.f32 $1.000000000e+00, v25  }
0x78: {  	s18 =	sadd.s32 $0x100, s18;
	v27 =	vld [tilespmem:s20+$0xD0]  }
0x79: {  	v28 =	vld [tilespmem:s20+$0x60];
	[tilespmem:s18+$0x70] =	vst v25  }
0x7a: {  	v25 =	vld [tilespmem:s20+$0xE0]  }
0x7b: {  	v29 =	vld [tilespmem:s20+$0xFFFFFF00]  }
0x7c: {  	v2 =	vld.idx.msk [tilespmem:v2+s2+$0x0], $0xffff  }
0x7d: {  	v8 =	vld.idx.msk [tilespmem:v8+s2+$0x0], $0xffff  }
0x7e: {  	v4 =	vld.idx.msk [tilespmem:v4+s2+$0x0], $0xffff  }
0x7f: {  	v9 =	vld.idx.msk [tilespmem:v9+s2+$0x0], $0xffff  }
0x80: {  	v0 =	vld.idx.msk [tilespmem:v0+s2+$0x0], $0xffff  }
0x81: {  	v7 =	vld.idx.msk [tilespmem:v7+s2+$0x0], $0xffff  }
0x82: {  	v3 =	vld.idx.msk [tilespmem:v3+s2+$0x0], $0xffff  }
0x83: {  	v29 =	vld.idx.msk [tilespmem:v29+s2+$0x0], $0xffff  }
0x84: {  	v4 =	vmul.f32 v4, v8;
	v8 =	vld.idx.msk [tilespmem:v11+s2+$0x0], $0xffff  }
0x85: {  	v6 =	vld.idx.msk [tilespmem:v6+s2+$0x0], $0xffff  }
0x86: {  	v4 =	vadd.f32 $1.000000000e+00, v4;
	v0 =	vmul.f32 v0, v9;
	v9 =	vld.idx.msk [tilespmem:v13+s2+$0x0], $0xffff  }
0x87: {  	v11 =	vld.idx.msk [tilespmem:v12+s2+$0x0], $0xffff  }
0x88: {  	v0 =	vadd.f32 $1.000000000e+00, v0;
	v3 =	vmul.f32 v3, v7;
	v7 =	vld.idx.msk [tilespmem:v15+s2+$0x0], $0xffff;
	(erf) = vrcp.f32 v4  }
0x89: {  	v2 =	vmul.f32 v2, v29;
	v4 =	vld.idx.msk [tilespmem:v10+s2+$0x0], $0xffff  }
0x8a: {  	v3 =	vadd.f32 $1.000000000e+00, v3;
	v10 =	vld.idx.msk [tilespmem:v16+s2+$0x0], $0xffff;
	(erf) = vrcp.f32 v0  }
0x8b: {  	v0 =	vadd.f32 $1.000000000e+00, v2;
	v2 =	vmul.f32 v6, v8;
	v6 =	vld.idx.msk [tilespmem:v14+s2+$0x0], $0xffff  }
0x8c: {  	v8 =	vld.idx.msk [tilespmem:v18+s2+$0x0], $0xffff;
	(erf) = vrcp.f32 v3  }
0x8d: {  	v2 =	vadd.f32 $1.000000000e+00, v2;
	v3 =	vmul.f32 v11, v9;
	v5 =	vld.idx.msk [tilespmem:v5+s2+$0x0], $0xffff;
	(erf) = vrcp.f32 v0  }
0x8e: {  	v9 =	vld.idx.msk [tilespmem:v17+s2+$0x0], $0xffff  }
0x8f: {  	v0 =	vadd.f32 $1.000000000e+00, v3;
	v3 =	vmul.f32 v4, v7;
	v1 =	vld.idx.msk [tilespmem:v1+s2+$0x0], $0xffff;
	(erf) = vrcp.f32 v2  }
0x90: {  	v4 =	vld.idx.msk [tilespmem:v19+s2+$0x0], $0xffff  }
0x91: {  	v2 =	vadd.f32 $1.000000000e+00, v3;
	v3 =	vmul.f32 v6, v10;
	v6 =	vld.idx.msk [tilespmem:v20+s2+$0x0], $0xffff;
	v7 =	vpop (erf);
	(erf) = vrcp.f32 v0  }
0x92: {  	v0 =	vsub.f32 $1.000000000e+00, v7;
	v10 =	vld.idx.msk [tilespmem:v21+s2+$0x0], $0xffff  }
0x93: {  	v3 =	vadd.f32 $1.000000000e+00, v3;
	v5 =	vmul.f32 v5, v8;
	v11 =	vld.idx.msk [tilespmem:v22+s2+$0x0], $0xffff;
	v7 =	vpop (erf);
	(erf) = vrcp.f32 v2  }
0x94: {  	[tilespmem:s18+$0xFFFFFF90] =	vst v0;
	v12 =	vsub.f32 $1.000000000e+00, v7;
	v0 =	vld.idx.msk [tilespmem:v23+s2+$0x0], $0xffff  }
.Ltmp0:
0x95: {  	v5 =	vadd.f32 $1.000000000e+00, v5;
	v8 =	vmul.f32 v1, v9;
	v2 =	vld.idx.msk [tilespmem:v24+s2+$0x0], $0xffff;
	v1 =	vpop (erf);
	(erf) = vrcp.f32 v3;
	(pc) =	sbr.rel @p0 .LBB2_2-.Ltmp0, $4  }
0x96: {  	[tilespmem:s18+$0xFFFFFFA0] =	vst v12;
	v3 =	vsub.f32 $1.000000000e+00, v1;
	v1 =	vld.idx.msk [tilespmem:v26+s2+$0x0], $0xffff;
	v7 =	vpop (erf)  }
0x97: {  	v12 =	vadd.f32 $1.000000000e+00, v8;
	v8 =	vmul.f32 v6, v4;
	v4 =	vld.idx.msk [tilespmem:v27+s2+$0x0], $0xffff;
	(erf) = vrcp.f32 v5  }
0x98: {  	v6 =	vsub.f32 $1.000000000e+00, v7;
	[tilespmem:s18+$0xFFFFFFB0] =	vst v3;
	v3 =	vld.idx.msk [tilespmem:v28+s2+$0x0], $0xffff;
	v7 =	vpop (erf)  }
0x99: {  	s20 =	sadd.s32 $0x200, s20;
	v8 =	vadd.f32 $1.000000000e+00, v8;
	v9 =	vmul.f32 v11, v10;
	v5 =	vld.idx.msk [tilespmem:v25+s2+$0x0], $0xffff;
	(erf) = vrcp.f32 v12  }
0x9a: {  	_ =	sdelay $0x1  }
0x9b: {  	v0 =	vmul.f32 v2, v0  }
0x9c: {  	v2 =	vadd.f32 $1.000000000e+00, v9  }
0x9d: {  	(erf) = vrcp.f32 v8;
	v0 =	vadd.f32 $1.000000000e+00, v0;
	v3 =	vmul.f32 v5, v3  }
0x9e: {  	v1 =	vmul.f32 v4, v1;
	(erf) = vrcp.f32 v2  }
0x9f: {  	(erf) = vrcp.f32 v0;
	v0 =	vadd.f32 $1.000000000e+00, v3  }
0xa0: {  	v1 =	vadd.f32 $1.000000000e+00, v1;
	_ =	sdelay $0x1  }
0xa1: {  	v2 =	vpop (erf);
	(erf) = vrcp.f32 v1  }
0xa2: {  	v1 =	vsub.f32 $1.000000000e+00, v7;
	v2 =	vsub.f32 $1.000000000e+00, v2;
	(erf) = vrcp.f32 v0;
	v0 =	vpop (erf)  }
0xa3: {  	v3 =	vpop (erf)  }
0xa4: {  	[tilespmem:s18+$0xFFFFFFD0] =	vst v2;
	v2 =	vsub.f32 $1.000000000e+00, v3  }
0xa5: {  	[tilespmem:s18+$0xFFFFFF80] =	vst v6;
	v0 =	vsub.f32 $1.000000000e+00, v0  }
0xa6: {  	[tilespmem:s18+$0xFFFFFFC0] =	vst v1;
	v1 =	vpop (erf)  }
0xa7: {  	[tilespmem:s18+$0xFFFFFFE0] =	vst v0;
	v0 =	vsub.f32 $1.000000000e+00, v1;
	v1 =	vpop (erf)  }
0xa8: {  	[tilespmem:s18+$0xFFFFFFF0] =	vst v2;
	v1 =	vsub.f32 $1.000000000e+00, v1;
	v2 =	vpop (erf)  }
0xa9: {  	[tilespmem:s18+$0x0] =	vst v0;
	v0 =	vsub.f32 $1.000000000e+00, v2;
	v2 =	vpop (erf)  }
0xaa: {  	[tilespmem:s18+$0x10] =	vst v1;
	v1 =	vsub.f32 $1.000000000e+00, v2;
	v2 =	vpop (erf)  }
0xab: {  	[tilespmem:s18+$0x20] =	vst v0;
	v0 =	vsub.f32 $1.000000000e+00, v2;
	v2 =	vpop (erf)  }
0xac: {  	[tilespmem:s18+$0x30] =	vst v1;
	v1 =	vsub.f32 $1.000000000e+00, v2;
	v2 =	vpop (erf)  }
0xad: {  	[tilespmem:s18+$0x40] =	vst v0;
	v0 =	vsub.f32 $1.000000000e+00, v2  }
0xae: {  	[tilespmem:s18+$0x50] =	vst v1  }
0xaf: {  	[tilespmem:s18+$0x60] =	vst v0  }
0xb0: {  	[hbm4b:s6+s2] =	stream.linear.scatter [tilespmem:s13], [sflag:$0x4], $0x1400, $0x38;
	[tilespmem:$0x9E00] =	vst v63  }
0xb1: {  	_ =	swait.ge [sflag:s14], $0x2700  }
0xb2: {  	[sflag:s14] =	ssyncset.done $0x0  }
0xb3: {  	s31 =	simm.s32 $0x5170;
	[sflag:s14] =	ssyncadd.s32 $0xFFFFD900  }
0xb4: {  	v0 =	vld [tilespmem:s31+$0xFFFFFF80]  }
0xb5: {  	v1 =	vld [tilespmem:s31+$0x0]  }
0xb6: {  	v2 =	vld [tilespmem:s31+$0xFFFFFE90]  }
0xb7: {  	v3 =	vld [tilespmem:s31+$0xFFFFFE20]  }
0xb8: {  	v4 =	vld [tilespmem:s31+$0xFFFFFEA0]  }
0xb9: {  	v5 =	vld [tilespmem:s31+$0xFFFFFE30]  }
0xba: {  	v6 =	vld [tilespmem:s31+$0xFFFFFEB0]  }
0xbb: {  	v7 =	vld [tilespmem:s31+$0xFFFFFE40]  }
0xbc: {  	v8 =	vld [tilespmem:s31+$0xFFFFFEC0]  }
0xbd: {  	v9 =	vld [tilespmem:s31+$0xFFFFFE50]  }
0xbe: {  	v10 =	vld [tilespmem:s31+$0xFFFFFED0]  }
0xbf: {  	v11 =	vld [tilespmem:s31+$0xFFFFFE60]  }
0xc0: {  	v12 =	vld [tilespmem:s31+$0xFFFFFEE0]  }
0xc1: {  	v13 =	vld [tilespmem:s31+$0xFFFFFE70]  }
0xc2: {  	v14 =	vld [tilespmem:s31+$0xFFFFFEF0]  }
0xc3: {  	v15 =	vld [tilespmem:s31+$0xFFFFFE80]  }
0xc4: {  	v16 =	vld [tilespmem:s31+$0xFFFFFF00]  }
0xc5: {  	v17 =	vld [tilespmem:s31+$0xFFFFFF10]  }
0xc6: {  	v18 =	vld [tilespmem:s31+$0xFFFFFF90]  }
0xc7: {  	v19 =	vld [tilespmem:s31+$0xFFFFFF20]  }
0xc8: {  	v20 =	vld [tilespmem:s31+$0xFFFFFFA0]  }
0xc9: {  	v21 =	vld [tilespmem:s31+$0xFFFFFF30]  }
0xca: {  	v22 =	vld [tilespmem:s31+$0xFFFFFFB0]  }
0xcb: {  	v23 =	vld [tilespmem:s31+$0xFFFFFF40]  }
0xcc: {  	v24 =	vld [tilespmem:s31+$0xFFFFFFC0]  }
0xcd: {  	v25 =	vld [tilespmem:s31+$0xFFFFFF50]  }
0xce: {  	v26 =	vld [tilespmem:s31+$0xFFFFFFD0]  }
0xcf: {  	v27 =	vld [tilespmem:s31+$0xFFFFFF60]  }
0xd0: {  	v28 =	vld [tilespmem:s31+$0xFFFFFFE0]  }
0xd1: {  	v29 =	vld [tilespmem:s31+$0xFFFFFF70]  }
0xd2: {  	v30 =	vld [tilespmem:s31+$0xFFFFFFF0]  }
0xd3: {  	v31 =	vld [tilespmem:s31+$0xFFFFFE10]  }
0xd4: {  	v0 =	vld.idx.msk [tilespmem:v0+s2+$0x0], $0xffff  }
0xd5: {  	v1 =	vld.idx.msk [tilespmem:v1+s2+$0x0], $0xffff  }
0xd6: {  	v2 =	vld.idx.msk [tilespmem:v2+s2+$0x0], $0xffff  }
0xd7: {  	v3 =	vld.idx.msk [tilespmem:v3+s2+$0x0], $0xffff  }
0xd8: {  	v4 =	vld.idx.msk [tilespmem:v4+s2+$0x0], $0xffff  }
0xd9: {  	v5 =	vld.idx.msk [tilespmem:v5+s2+$0x0], $0xffff  }
0xda: {  	v6 =	vld.idx.msk [tilespmem:v6+s2+$0x0], $0xffff  }
0xdb: {  	v7 =	vld.idx.msk [tilespmem:v7+s2+$0x0], $0xffff  }
0xdc: {  	v8 =	vld.idx.msk [tilespmem:v8+s2+$0x0], $0xffff  }
0xdd: {  	v31 =	vld.idx.msk [tilespmem:v31+s2+$0x0], $0xffff  }
0xde: {  	v9 =	vld.idx.msk [tilespmem:v9+s2+$0x0], $0xffff;
	v0 =	vmul.f32 v1, v0  }
0xdf: {  	v1 =	vld.idx.msk [tilespmem:v10+s2+$0x0], $0xffff  }
0xe0: {  	v10 =	vld.idx.msk [tilespmem:v11+s2+$0x0], $0xffff;
	v3 =	vmul.f32 v4, v3;
	v0 =	vadd.f32 $1.000000000e+00, v0  }
0xe1: {  	v4 =	vld.idx.msk [tilespmem:v12+s2+$0x0], $0xffff;
	v5 =	vmul.f32 v6, v5  }
0xe2: {  	v6 =	vld.idx.msk [tilespmem:v13+s2+$0x0], $0xffff;
	(erf) = vrcp.f32 v0;
	v0 =	vadd.f32 $1.000000000e+00, v3  }
0xe3: {  	v5 =	vadd.f32 $1.000000000e+00, v5;
	v3 =	vmul.f32 v8, v7;
	v7 =	vld.idx.msk [tilespmem:v14+s2+$0x0], $0xffff  }
0xe4: {  	v2 =	vmul.f32 v2, v31;
	v8 =	vld.idx.msk [tilespmem:v15+s2+$0x0], $0xffff;
	(erf) = vrcp.f32 v0  }
0xe5: {  	v1 =	vmul.f32 v1, v9;
	v0 =	vadd.f32 $1.000000000e+00, v3;
	v3 =	vld.idx.msk [tilespmem:v16+s2+$0x0], $0xffff;
	(erf) = vrcp.f32 v5  }
0xe6: {  	v2 =	vadd.f32 $1.000000000e+00, v2;
	v5 =	vld.idx.msk [tilespmem:v17+s2+$0x0], $0xffff  }
0xe7: {  	v4 =	vmul.f32 v4, v10;
	v1 =	vadd.f32 $1.000000000e+00, v1;
	(erf) = vrcp.f32 v0;
	v0 =	vld.idx.msk [tilespmem:v18+s2+$0x0], $0xffff  }
0xe8: {  	v9 =	vld.idx.msk [tilespmem:v20+s2+$0x0], $0xffff;
	(erf) = vrcp.f32 v2  }
0xe9: {  	v4 =	vadd.f32 $1.000000000e+00, v4;
	v2 =	vld.idx.msk [tilespmem:v19+s2+$0x0], $0xffff;
	(erf) = vrcp.f32 v1;
	v1 =	vmul.f32 v7, v6  }
0xea: {  	v62 =	vld.idx.msk [tilespmem:v24+s2+$0x0], $0xffff  }
0xeb: {  	v10 =	vld.idx.msk [tilespmem:v21+s2+$0x0], $0xffff;
	v3 =	vmul.f32 v3, v8;
	v1 =	vadd.f32 $1.000000000e+00, v1;
	v7 =	vpop (erf);
	(erf) = vrcp.f32 v4  }
0xec: {  	v6 =	vld.idx.msk [tilespmem:v22+s2+$0x0], $0xffff;
	v4 =	vmul.f32 v0, v5  }
0xed: {  	v11 =	vld.idx.msk [tilespmem:v23+s2+$0x0], $0xffff;
	v3 =	vadd.f32 $1.000000000e+00, v3;
	v7 =	vsub.f32 $1.000000000e+00, v7;
	v8 =	vpop (erf);
	(erf) = vrcp.f32 v1  }
0xee: {  	s20 =	simm.s32 $0x8B70;
	v0 =	vld.idx.msk [tilespmem:v25+s2+$0x0], $0xffff;
	v9 =	vmul.f32 v9, v2;
	v5 =	vsub.f32 $1.000000000e+00, v8;
	v8 =	vpop (erf)  }
0xef: {  	v2 =	vld.idx.msk [tilespmem:v26+s2+$0x0], $0xffff;
	[tilespmem:s20+$0x0] =	vst v7;
	(erf) = vrcp.f32 v3;
	v7 =	vsub.f32 $1.000000000e+00, v8;
	v8 =	vadd.f32 $1.000000000e+00, v4  }
0xf0: {  	v1 =	vld.idx.msk [tilespmem:v27+s2+$0x0], $0xffff;
	v63 =	vadd.f32 $1.000000000e+00, v9;
	v4 =	vpop (erf)  }
0xf1: {  	v9 =	vmul.f32 v6, v10;
	[tilespmem:s20+$0xFFFFFF20] =	vst v5;
	v5 =	vsub.f32 $1.000000000e+00, v4;
	v3 =	vpop (erf);
	v4 =	vld.idx.msk [tilespmem:v28+s2+$0x0], $0xffff;
	(erf) = vrcp.f32 v8  }
0xf2: {  	s23 =	simm.s32 $0x1400;
	s19 =	simm.s32 $0x26F0;
	s21 =	simm.s32 $0x9D80;
	[tilespmem:s20+$0xFFFFFF30] =	vst v7;
	v6 =	vsub.f32 $1.000000000e+00, v3;
	v3 =	vld.idx.msk [tilespmem:v29+s2+$0x0], $0xffff  }
0xf3: {  	s22 =	simm.s32 $0x4E00;
	s24 =	simm.s32 $0x5370;
	s18 =	simm.s32 $0x2800;
	v8 =	vadd.f32 $1.000000000e+00, v9;
	v9 =	vmul.f32 v62, v11;
	[tilespmem:s20+$0xFFFFFF40] =	vst v5;
	v5 =	vld.idx.msk [tilespmem:v30+s2+$0x0], $0xffff;
	(erf) = vrcp.f32 v63;
	v7 =	vpop (erf)  }
.LBB2_4:
0xf4: {  	v10 =	vld [tilespmem:s24+$0xFFFFFF80];
	[tilespmem:s20+$0xFFFFFF10] =	vst v6;
	v6 =	vsub.f32 $1.000000000e+00, v7;
	v7 =	vpop (erf)  }
0xf5: {  	s23 =	sadd.s32 $0x100, s23;
	v0 =	vmul.f32 v2, v0;
	v11 =	vld [tilespmem:s24+$0x0];
	v9 =	vadd.f32 $1.000000000e+00, v9;
	(erf) = vrcp.f32 v8  }
0xf6: {  	p0 =	slt.u32 s23, $0x2600;
	v2 =	vld [tilespmem:s24+$0xFFFFFE90];
	[tilespmem:s20+$0xFFFFFF50] =	vst v6;
	v6 =	vsub.f32 $1.000000000e+00, v7;
	v7 =	vpop (erf)  }
0xf7: {  	v0 =	vadd.f32 $1.000000000e+00, v0;
	v1 =	vmul.f32 v4, v1;
	v8 =	vld [tilespmem:s24+$0xFFFFFE20];
	(erf) = vrcp.f32 v9  }
0xf8: {  	v12 =	vsub.f32 $1.000000000e+00, v7;
	v4 =	vld [tilespmem:s24+$0xFFFFFEA0];
	[tilespmem:s20+$0xFFFFFF60] =	vst v6;
	v7 =	vpop (erf)  }
0xf9: {  	v1 =	vadd.f32 $1.000000000e+00, v1;
	v3 =	vmul.f32 v5, v3;
	v9 =	vld [tilespmem:s24+$0xFFFFFE30];
	(erf) = vrcp.f32 v0  }
0xfa: {  	v0 =	vld [tilespmem:s24+$0xFFFFFEB0];
	[tilespmem:s20+$0xFFFFFF70] =	vst v12;
	v12 =	vsub.f32 $1.000000000e+00, v7;
	v6 =	vpop (erf)  }
0xfb: {  	v3 =	vadd.f32 $1.000000000e+00, v3;
	v7 =	vld [tilespmem:s24+$0xFFFFFE40];
	v13 =	vsub.f32 $1.000000000e+00, v6;
	(erf) = vrcp.f32 v1  }
0xfc: {  	v1 =	vld.idx.msk [tilespmem:v10+s2+$0x0], $0xffff;
	[tilespmem:s20+$0xFFFFFF80] =	vst v12;
	v5 =	vpop (erf)  }
0xfd: {  	v10 =	vld.idx.msk [tilespmem:v11+s2+$0x0], $0xffff;
	[tilespmem:s20+$0xFFFFFF90] =	vst v13;
	v5 =	vsub.f32 $1.000000000e+00, v5;
	(erf) = vrcp.f32 v3  }
0xfe: {  	v3 =	vld [tilespmem:s24+$0xFFFFFEC0];
	v6 =	vpop (erf)  }
0xff: {  	v11 =	vld [tilespmem:s24+$0xFFFFFE50];
	[tilespmem:s20+$0xFFFFFFA0] =	vst v5;
	v5 =	vsub.f32 $1.000000000e+00, v6  }
0x100: {  	v6 =	vld [tilespmem:s24+$0xFFFFFED0];
	v12 =	vpop (erf)  }
0x101: {  	v13 =	vld [tilespmem:s24+$0xFFFFFE60];
	[tilespmem:s20+$0xFFFFFFB0] =	vst v5;
	v5 =	vsub.f32 $1.000000000e+00, v12  }
0x102: {  	v12 =	vld [tilespmem:s24+$0xFFFFFEE0];
	v14 =	vpop (erf)  }
0x103: {  	v1 =	vmul.f32 v10, v1;
	v15 =	vld [tilespmem:s24+$0xFFFFFE70];
	[tilespmem:s20+$0xFFFFFFC0] =	vst v5;
	v5 =	vsub.f32 $1.000000000e+00, v14  }
0x104: {  	v10 =	vld [tilespmem:s24+$0xFFFFFEF0];
	v14 =	vpop (erf)  }
0x105: {  	v1 =	vadd.f32 $1.000000000e+00, v1;
	v16 =	vld [tilespmem:s24+$0xFFFFFE80];
	[tilespmem:s20+$0xFFFFFFD0] =	vst v5;
	v5 =	vsub.f32 $1.000000000e+00, v14  }
0x106: {  	v14 =	vld [tilespmem:s24+$0xFFFFFF00];
	v17 =	vpop (erf)  }
0x107: {  	v18 =	vld [tilespmem:s24+$0xFFFFFF10];
	(erf) = vrcp.f32 v1;
	[tilespmem:s20+$0xFFFFFFE0] =	vst v5;
	v1 =	vsub.f32 $1.000000000e+00, v17  }
0x108: {  	v5 =	vld [tilespmem:s24+$0xFFFFFF90]  }
0x109: {  	v17 =	vld [tilespmem:s24+$0xFFFFFF20];
	[tilespmem:s20+$0xFFFFFFF0] =	vst v1  }
0x10a: {  	v1 =	vld [tilespmem:s24+$0xFFFFFFA0]  }
0x10b: {  	v19 =	vld [tilespmem:s24+$0xFFFFFF30]  }
0x10c: {  	v20 =	vld [tilespmem:s24+$0xFFFFFFB0]  }
0x10d: {  	v21 =	vld [tilespmem:s24+$0xFFFFFF40]  }
0x10e: {  	v22 =	vld [tilespmem:s24+$0xFFFFFFC0]  }
0x10f: {  	v23 =	vld [tilespmem:s24+$0xFFFFFF50]  }
0x110: {  	v24 =	vld [tilespmem:s24+$0xFFFFFFD0];
	v25 =	vpop (erf)  }
0x111: {  	v26 =	vld [tilespmem:s24+$0xFFFFFF60];
	v25 =	vsub.f32 $1.000000000e+00, v25  }
0x112: {  	s25 =	simm.s32 $0x2780;
	s20 =	sadd.s32 $0x100, s20;
	v27 =	vld [tilespmem:s24+$0xFFFFFFE0]  }
0x113: {  	v28 =	vld [tilespmem:s24+$0xFFFFFF70];
	[tilespmem:s20+$0x0] =	vst v25  }
0x114: {  	v25 =	vld [tilespmem:s24+$0xFFFFFFF0]  }
0x115: {  	v29 =	vld [tilespmem:s24+$0xFFFFFE10]  }
0x116: {  	v2 =	vld.idx.msk [tilespmem:v2+s2+$0x0], $0xffff  }
0x117: {  	v8 =	vld.idx.msk [tilespmem:v8+s2+$0x0], $0xffff  }
0x118: {  	v4 =	vld.idx.msk [tilespmem:v4+s2+$0x0], $0xffff  }
0x119: {  	v9 =	vld.idx.msk [tilespmem:v9+s2+$0x0], $0xffff  }
0x11a: {  	v0 =	vld.idx.msk [tilespmem:v0+s2+$0x0], $0xffff  }
0x11b: {  	v7 =	vld.idx.msk [tilespmem:v7+s2+$0x0], $0xffff  }
0x11c: {  	v3 =	vld.idx.msk [tilespmem:v3+s2+$0x0], $0xffff  }
0x11d: {  	v29 =	vld.idx.msk [tilespmem:v29+s2+$0x0], $0xffff  }
0x11e: {  	v4 =	vmul.f32 v4, v8;
	v8 =	vld.idx.msk [tilespmem:v11+s2+$0x0], $0xffff  }
0x11f: {  	v6 =	vld.idx.msk [tilespmem:v6+s2+$0x0], $0xffff  }
0x120: {  	v4 =	vadd.f32 $1.000000000e+00, v4;
	v0 =	vmul.f32 v0, v9;
	v9 =	vld.idx.msk [tilespmem:v13+s2+$0x0], $0xffff  }
0x121: {  	v11 =	vld.idx.msk [tilespmem:v12+s2+$0x0], $0xffff  }
0x122: {  	v0 =	vadd.f32 $1.000000000e+00, v0;
	v3 =	vmul.f32 v3, v7;
	v7 =	vld.idx.msk [tilespmem:v15+s2+$0x0], $0xffff;
	(erf) = vrcp.f32 v4  }
0x123: {  	v2 =	vmul.f32 v2, v29;
	v4 =	vld.idx.msk [tilespmem:v10+s2+$0x0], $0xffff  }
0x124: {  	v3 =	vadd.f32 $1.000000000e+00, v3;
	v10 =	vld.idx.msk [tilespmem:v16+s2+$0x0], $0xffff;
	(erf) = vrcp.f32 v0  }
0x125: {  	v0 =	vadd.f32 $1.000000000e+00, v2;
	v2 =	vmul.f32 v6, v8;
	v6 =	vld.idx.msk [tilespmem:v14+s2+$0x0], $0xffff  }
0x126: {  	v8 =	vld.idx.msk [tilespmem:v18+s2+$0x0], $0xffff;
	(erf) = vrcp.f32 v3  }
0x127: {  	v2 =	vadd.f32 $1.000000000e+00, v2;
	v3 =	vmul.f32 v11, v9;
	v5 =	vld.idx.msk [tilespmem:v5+s2+$0x0], $0xffff;
	(erf) = vrcp.f32 v0  }
0x128: {  	v9 =	vld.idx.msk [tilespmem:v17+s2+$0x0], $0xffff  }
0x129: {  	v0 =	vadd.f32 $1.000000000e+00, v3;
	v3 =	vmul.f32 v4, v7;
	v1 =	vld.idx.msk [tilespmem:v1+s2+$0x0], $0xffff;
	(erf) = vrcp.f32 v2  }
0x12a: {  	v4 =	vld.idx.msk [tilespmem:v19+s2+$0x0], $0xffff  }
0x12b: {  	v2 =	vadd.f32 $1.000000000e+00, v3;
	v3 =	vmul.f32 v6, v10;
	v6 =	vld.idx.msk [tilespmem:v20+s2+$0x0], $0xffff;
	v7 =	vpop (erf);
	(erf) = vrcp.f32 v0  }
0x12c: {  	v0 =	vsub.f32 $1.000000000e+00, v7;
	v10 =	vld.idx.msk [tilespmem:v21+s2+$0x0], $0xffff  }
0x12d: {  	v3 =	vadd.f32 $1.000000000e+00, v3;
	v5 =	vmul.f32 v5, v8;
	v11 =	vld.idx.msk [tilespmem:v22+s2+$0x0], $0xffff;
	v7 =	vpop (erf);
	(erf) = vrcp.f32 v2  }
0x12e: {  	[tilespmem:s20+$0xFFFFFF20] =	vst v0;
	v12 =	vsub.f32 $1.000000000e+00, v7;
	v0 =	vld.idx.msk [tilespmem:v23+s2+$0x0], $0xffff  }
.Ltmp1:
0x12f: {  	v5 =	vadd.f32 $1.000000000e+00, v5;
	v8 =	vmul.f32 v1, v9;
	v2 =	vld.idx.msk [tilespmem:v24+s2+$0x0], $0xffff;
	v1 =	vpop (erf);
	(erf) = vrcp.f32 v3;
	(pc) =	sbr.rel @p0 .LBB2_4-.Ltmp1, $4  }
0x130: {  	[tilespmem:s20+$0xFFFFFF30] =	vst v12;
	v3 =	vsub.f32 $1.000000000e+00, v1;
	v1 =	vld.idx.msk [tilespmem:v26+s2+$0x0], $0xffff;
	v7 =	vpop (erf)  }
0x131: {  	v12 =	vadd.f32 $1.000000000e+00, v8;
	v8 =	vmul.f32 v6, v4;
	v4 =	vld.idx.msk [tilespmem:v27+s2+$0x0], $0xffff;
	(erf) = vrcp.f32 v5  }
0x132: {  	v6 =	vsub.f32 $1.000000000e+00, v7;
	[tilespmem:s20+$0xFFFFFF40] =	vst v3;
	v3 =	vld.idx.msk [tilespmem:v28+s2+$0x0], $0xffff;
	v7 =	vpop (erf)  }
0x133: {  	s24 =	sadd.s32 $0x200, s24;
	v8 =	vadd.f32 $1.000000000e+00, v8;
	v9 =	vmul.f32 v11, v10;
	v5 =	vld.idx.msk [tilespmem:v25+s2+$0x0], $0xffff;
	(erf) = vrcp.f32 v12  }
0x134: {  	_ =	sdelay $0x1  }
0x135: {  	v0 =	vmul.f32 v2, v0  }
0x136: {  	v43 =	vadd.f32 $1.000000000e+00, v9;
	v1 =	vmul.f32 v4, v1  }
0x137: {  	(erf) = vrcp.f32 v8;
	v0 =	vadd.f32 $1.000000000e+00, v0;
	v3 =	vmul.f32 v5, v3  }
0x138: {  	(erf) = vrcp.f32 v43;
	v1 =	vadd.f32 $1.000000000e+00, v1  }
0x139: {  	(erf) = vrcp.f32 v0;
	v44 =	vadd.f32 $1.000000000e+00, v3  }
0x13a: {  	(erf) = vrcp.f32 v1  }
0x13b: {  	v45 =	vsub.f32 $1.000000000e+00, v7;
	v46 =	vpop (erf);
	(erf) = vrcp.f32 v44  }
0x13c: {  	[tilespmem:s20+$0xFFFFFF10] =	vst v6;
	v2 =	vsub.f32 $1.000000000e+00, v46;
	v47 =	vpop (erf)  }
0x13d: {  	[tilespmem:s20+$0xFFFFFF50] =	vst v45;
	v48 =	vpop (erf);
	v0 =	vsub.f32 $1.000000000e+00, v47  }
0x13e: {  	[tilespmem:s20+$0xFFFFFF60] =	vst v2;
	v50 =	vsub.f32 $1.000000000e+00, v48;
	v49 =	vpop (erf)  }
0x13f: {  	[tilespmem:s20+$0xFFFFFF70] =	vst v0;
	v52 =	vsub.f32 $1.000000000e+00, v49;
	v51 =	vpop (erf)  }
0x140: {  	[tilespmem:s20+$0xFFFFFF80] =	vst v50;
	v53 =	vsub.f32 $1.000000000e+00, v51;
	v54 =	vpop (erf)  }
0x141: {  	[tilespmem:s20+$0xFFFFFF90] =	vst v52;
	v55 =	vsub.f32 $1.000000000e+00, v54;
	v56 =	vpop (erf)  }
0x142: {  	[tilespmem:s20+$0xFFFFFFA0] =	vst v53;
	v57 =	vsub.f32 $1.000000000e+00, v56;
	v58 =	vpop (erf)  }
0x143: {  	[tilespmem:s20+$0xFFFFFFB0] =	vst v55;
	v59 =	vsub.f32 $1.000000000e+00, v58;
	v60 =	vpop (erf)  }
0x144: {  	[tilespmem:s20+$0xFFFFFFC0] =	vst v57;
	v61 =	vsub.f32 $1.000000000e+00, v60;
	v62 =	vpop (erf)  }
0x145: {  	[tilespmem:s20+$0xFFFFFFD0] =	vst v59;
	v63 =	vsub.f32 $1.000000000e+00, v62  }
0x146: {  	[tilespmem:s20+$0xFFFFFFE0] =	vst v61  }
0x147: {  	[tilespmem:s20+$0xFFFFFFF0] =	vst v63  }
.LBB2_6:
0x148: {  	s20 =	sand.u32 $0x3FFFFF00, s22  }
0x149: {  	s23 =	sadd.s32 s20, s25  }
0x14a: {  	s20 =	sadd.s32 s20, s18;
	v0 =	vld [tilespmem:s23+$0x0]  }
0x14b: {  	v1 =	vld [tilespmem:s20+$0x0];
	_ =	sdelay $0x6  }
0x14c: {  	v0 =	vld.idx.msk [tilespmem:v0+s2+$0x0], $0xffff  }
0x14d: {  	v1 =	vld.idx.msk [tilespmem:v1+s2+$0x0], $0xffff;
	_ =	sdelay $0x4  }
0x14e: {  	v0 =	vmul.f32 v1, v0;
	_ =	sdelay $0x1  }
0x14f: {  	v0 =	vadd.f32 $1.000000000e+00, v0;
	_ =	sdelay $0x1  }
0x150: {  	(erf) = vrcp.f32 v0;
	_ =	sdelay $0x5  }
0x151: {  	s19 =	sadd.s32 $0x10, s19  }
0x152: {  	p0 =	slt.u32 s19, $0x2770  }
.Ltmp2:
0x153: {  	_ = 	snop;
	(pc) =	sbr.rel @p0 .LBB2_6-.Ltmp2, $4  }
0x154: {  	v0 =	vpop (erf)  }
0x155: {  	v0 =	vsub.f32 $1.000000000e+00, v0  }
0x156: {  	s22 =	sadd.s32 $0x20, s22  }
0x157: {  	s18 =	sadd.s32 $0x10, s18;
	s25 =	sadd.s32 $0x10, s25;
	[tilespmem:s21+$0x0] =	vst v0;
	s21 =	sadd.s32 $0x10, s21  }
0x158: {  	[hbm4b:s7+s2] =	stream.linear.scatter [tilespmem:s15], [sflag:$0x4], $0x1380, $0x38;
	[tilespmem:$0x9E00] =	vst v63  }
0x159: {  	s17 =	sadd.s32 $0x1, s17  }
0x15a: {  	_ =	swait.ge [sflag:s16], $0x1400;
	p0 =	sne.s32 s17, s8  }
.Ltmp3:
0x15b: {  	[sflag:s16] =	ssyncset.done $0x0;
	(pc) =	sbr.rel @p0 .LBB2_1-.Ltmp3, $4  }
0x15c: {  	[sflag:s16] =	ssyncadd.s32 $0xFFFFEC00  }
0x15d: {  	_ =	swait.ge [sflag:s16], $0x1380  }
0x15e: {  	[sflag:s16] =	ssyncset.done $0x0  }
0x15f: {  	[sflag:s16] =	ssyncadd.s32 $0xFFFFEC80  }
0x160: {  	_ =	sfence.sel $0x180000  }
0x161: {  	[bflag:$0x0] =	sbarrier.arrive $0xFFFF  }
0x162: {  	p0 =	sne.s32 s0, $0x0;
	_ =	strace $0x90000047  }
0x163: {  	s0 =	sadd.s32 @!p0 $0x100000, s1;
	[bflag:$0x2] =	sbarrier.arrive $0xFFFF  }
0x164: {  	[sflag:s0] =	ssyncadd.tile.s32 @!p0 $0x1;
	_ =	shalt  }
.Lfunc_end2:
_tile_overlayer_lowered:
.L_overlay_start_2:
0x165: {  	(tag) =	ssettag $0x2  }
0x166: {  	s0 =	rddreg [dreg:$0x0];
	s2 =	stileid.u32  }
0x167: {  	s1 =	rddreg [dreg:$0x1];
	p0 =	sne.s32 s2, $0x0  }
0x168: {  	s3 =	rddreg [dreg:$0x2];
	[bflag:$0x3] =	sbarrier.arrive $0xFFFF;
	s2 =	simm.s32 @!p0 $0x1C05  }
0x169: {  	[timem:s3], [sflag:s2] =	dma.local @!p0 [hbm:s0], s1  }
0x16a: {  	s0 =	simm.s32 @!p0 $0x5  }
0x16b: {  	_ =	swait.ge @!p0 [sflag:s0], s1  }
0x16c: {  	s1 =	ssub.s32 @!p0 $0x0, s1;
	[sflag:s0] =	ssyncset.done @!p0 $0x0  }
0x16d: {  	[sflag:s0] =	ssyncadd.s32 @!p0 s1  }
0x16e: {  	[bflag:$0x3] =	sbarrier.arrive $0xFFFF  }
0x16f: {  	_ =	shalt  }

</sc_bundles>
